<compile_context>
chip_gen: v7x
topology: tpu7x:2x2x1
jax: 0.10.2.dev20260603
libtpu: 0.0.44.dev20260713+nightly
codegen_flags: <defaults>
</compile_context>

<pallas_src>
import functools

import jax
import jax.numpy as jnp
from jax import lax
from jax.experimental import pallas as pl
from jax.experimental.pallas import tpu as pltpu
from jax.experimental.pallas import tpu_sc as plsc

N = 100000
C = 64
K = 27
KS = 28
NSLOT = KS // 2
KC = K // 2
EPS = 1e-4

NPAD = 101376
BLK = 384
G = 128
SUB = BLK // G
NCH = NPAD // BLK
GPC = K * SUB
GPAD = 88
TBLK = 1536
SBLK = 3072
NC = 2
NS = 16
NW = NC * NS
NPS = NPAD - N


def _stats_kernel(e_ref, o_ref, st_ref):
    i = pl.program_id(0)
    xb = e_ref[:, :C] + o_ref[:, C:]
    s = jnp.sum(xb, axis=0, keepdims=True)
    ss = jnp.sum(xb * xb, axis=0, keepdims=True)
    blk = jnp.concatenate([s, ss, jnp.zeros((6, C), jnp.float32)], axis=0)

    @pl.when(i == 0)
    def _():
        st_ref[...] = blk

    @pl.when(i != 0)
    def _():
        st_ref[...] += blk


def _stats(xe, xo):
    return pl.pallas_call(
        _stats_kernel,
        grid=(NPAD // SBLK,),
        in_specs=[
            pl.BlockSpec((SBLK, 2 * C), lambda i: (i, 0)),
            pl.BlockSpec((SBLK, 2 * C), lambda i: (i, 0)),
        ],
        out_specs=pl.BlockSpec((8, C), lambda i: (0, 0)),
        out_shape=jax.ShapeDtypeStruct((8, C), jnp.float32),
    )(xe, xo)


def _transform_kernel(e_ref, o_ref, st_ref, gamma_ref, beta_ref, w_ref,
                      bvec_ref, h_ref):
    i = pl.program_id(0)
    mean = st_ref[0:1, :] * (1.0 / N)
    var = st_ref[1:2, :] * (1.0 / N) - mean * mean
    rstd = lax.rsqrt(var + EPS)
    xb = e_ref[:, :C] + o_ref[:, C:]
    h = jnp.maximum((xb - mean) * (rstd * gamma_ref[...]) + beta_ref[...], 0.0)
    row = i * TBLK + lax.broadcasted_iota(jnp.int32, (TBLK, 1), 0)
    h = jnp.where(row < N, h, 0.0)
    for j in range(NSLOT):
        h_ref[j] = (
            jnp.dot(h, w_ref[j], preferred_element_type=jnp.float32)
            + bvec_ref[j]
        )


def _transform(xe, xo, st, gamma, beta, wr, bvec):
    return pl.pallas_call(
        _transform_kernel,
        grid=(NPAD // TBLK,),
        in_specs=[
            pl.BlockSpec((TBLK, 2 * C), lambda i: (i, 0)),
            pl.BlockSpec((TBLK, 2 * C), lambda i: (i, 0)),
            pl.BlockSpec((8, C), lambda i: (0, 0)),
            pl.BlockSpec((1, C), lambda i: (0, 0)),
            pl.BlockSpec((1, C), lambda i: (0, 0)),
            pl.BlockSpec((NSLOT, C, 2 * C), lambda i: (0, 0, 0)),
            pl.BlockSpec((NSLOT, 1, 2 * C), lambda i: (0, 0, 0)),
        ],
        out_specs=pl.BlockSpec((NSLOT, TBLK, 2 * C), lambda i: (0, i, 0)),
        out_shape=jax.ShapeDtypeStruct((NSLOT, NPAD, 2 * C), jnp.float32),
    )(xe, xo, st, gamma.reshape(1, C), beta.reshape(1, C), wr, bvec)


def _prep_kernel(x_ref, xp_ref, z_ref):
    i = pl.program_id(0)
    row = i * SBLK + lax.broadcasted_iota(jnp.int32, (SBLK, 1), 0)
    xb = jnp.where(row < N, x_ref[...], 0.0)
    xp_ref[...] = jnp.concatenate(
        [xb, jnp.zeros((SBLK, C), jnp.float32)], axis=1)
    z_ref[...] = jnp.zeros((SBLK, 2 * C), jnp.float32)


def _prep(x):
    return pl.pallas_call(
        _prep_kernel,
        grid=(NPAD // SBLK,),
        in_specs=[pl.BlockSpec((SBLK, C), lambda i: (i, 0))],
        out_specs=[
            pl.BlockSpec((SBLK, 2 * C), lambda i: (i, 0)),
            pl.BlockSpec((SBLK, 2 * C), lambda i: (i, 0)),
        ],
        out_shape=(
            jax.ShapeDtypeStruct((NPAD, 2 * C), jnp.float32),
            jax.ShapeDtypeStruct((NPAD, 2 * C), jnp.float32),
        ),
    )(x)


def _combine_kernel(e_ref, o_ref, x_ref, y_ref):
    y_ref[...] = e_ref[:, :C] + o_ref[:, C:] + x_ref[:, :C]


def _combine(xe, xo, xres):
    return pl.pallas_call(
        _combine_kernel,
        grid=(NPAD // SBLK,),
        in_specs=[
            pl.BlockSpec((SBLK, 2 * C), lambda i: (i, 0)),
            pl.BlockSpec((SBLK, 2 * C), lambda i: (i, 0)),
            pl.BlockSpec((SBLK, 2 * C), lambda i: (i, 0)),
        ],
        out_specs=pl.BlockSpec((SBLK, C), lambda i: (i, 0)),
        out_shape=jax.ShapeDtypeStruct((NPAD, C), jnp.float32),
    )(xe, xo, xres)


def _sc_conv(hflat, idxb, zinit):
    mesh = plsc.VectorSubcoreMesh(core_axis_name="c", subcore_axis_name="s")

    @functools.partial(
        pl.kernel,
        out_type=(
            jax.ShapeDtypeStruct((NPAD, 2 * C), jnp.float32),
            jax.ShapeDtypeStruct((NPAD, 2 * C), jnp.float32),
        ),
        mesh=mesh,
        scratch_types=[
            pltpu.VMEM((GPAD, G), jnp.int32),
            pltpu.VMEM((BLK, 2 * C), jnp.float32),
            pltpu.VMEM((BLK, 2 * C), jnp.float32),
            pltpu.SemaphoreType.DMA,
        ],
    )
    def conv(h_hbm, idxb_hbm, z_hbm, oute_hbm, outo_hbm,
             idx_v, acce_v, acco_v, sem):
        cid = lax.axis_index("c")
        sid = lax.axis_index("s")
        wid = sid * NC + cid

        def chunk_body(ci, carry):
            chunk = wid + ci * NW
            base = chunk * BLK
            pltpu.sync_copy(idxb_hbm.at[chunk], idx_v)
            pltpu.sync_copy(z_hbm.at[pl.ds(base, BLK)], acce_v)
            pltpu.sync_copy(z_hbm.at[pl.ds(base, BLK)], acco_v)

            def fire_e(ge, c):
                sub = lax.rem(ge, SUB)
                g = (ge // SUB) * (2 * SUB) + sub
                pltpu.async_copy(
                    h_hbm.at[idx_v.at[g]],
                    acce_v.at[pl.ds(sub * G, G)],
                    sem,
                    add=True,
                )
                return c

            lax.fori_loop(0, (NSLOT) * SUB, fire_e, 0)

            def fire_o(go, c):
                sub = lax.rem(go, SUB)
                g = (go // SUB) * (2 * SUB) + SUB + sub
                pltpu.async_copy(
                    h_hbm.at[idx_v.at[g]],
                    acco_v.at[pl.ds(sub * G, G)],
                    sem,
                    add=True,
                )
                return c

            lax.fori_loop(0, (K // 2) * SUB, fire_o, 0)

            def drain(g, c):
                pltpu.make_async_copy(
                    h_hbm.at[idx_v.at[0]], acce_v.at[pl.ds(0, G)], sem
                ).wait()
                return c

            lax.fori_loop(0, GPC, drain, 0)
            pltpu.sync_copy(acce_v, oute_hbm.at[pl.ds(base, BLK)])
            pltpu.sync_copy(acco_v, outo_hbm.at[pl.ds(base, BLK)])
            return carry

        lax.fori_loop(0, NCH // NW, chunk_body, 0)

        @pl.when(wid < (NCH - (NCH // NW) * NW) * SUB)
        def _():
            chunk = (NCH // NW) * NW + wid // SUB
            sub = lax.rem(wid, SUB)
            base = chunk * BLK + sub * G
            pltpu.sync_copy(idxb_hbm.at[chunk], idx_v)
            pltpu.sync_copy(z_hbm.at[pl.ds(base, G)], acce_v.at[pl.ds(0, G)])
            pltpu.sync_copy(z_hbm.at[pl.ds(base, G)], acco_v.at[pl.ds(0, G)])

            def fire_me(j, c):
                g = j * (2 * SUB) + sub
                pltpu.async_copy(
                    h_hbm.at[idx_v.at[g]], acce_v.at[pl.ds(0, G)], sem, add=True
                )
                return c

            lax.fori_loop(0, NSLOT, fire_me, 0)

            def fire_mo(j, c):
                g = j * (2 * SUB) + SUB + sub
                pltpu.async_copy(
                    h_hbm.at[idx_v.at[g]], acco_v.at[pl.ds(0, G)], sem, add=True
                )
                return c

            lax.fori_loop(0, K // 2, fire_mo, 0)

            def drain_m(j, c):
                pltpu.make_async_copy(
                    h_hbm.at[idx_v.at[0]], acce_v.at[pl.ds(0, G)], sem
                ).wait()
                return c

            lax.fori_loop(0, K, drain_m, 0)
            pltpu.sync_copy(acce_v.at[pl.ds(0, G)], oute_hbm.at[pl.ds(base, G)])
            pltpu.sync_copy(acco_v.at[pl.ds(0, G)], outo_hbm.at[pl.ds(base, G)])

    return conv(hflat, idxb, zinit)


def kernel(x, neighbor_idx, neighbor_mask, W1, b1, W2, b2,
           gamma1, beta1, gamma2, beta2):
    f32 = jnp.float32
    idx = neighbor_idx.astype(jnp.int32)
    offs = jnp.arange(K, dtype=jnp.int32)[None, :]
    rowv = jnp.arange(N, dtype=jnp.int32)[:, None]
    sent_site = N + (rowv * K + offs) % NPS
    idxp = jnp.where(neighbor_mask != 0, idx, sent_site)
    padrow = jnp.arange(NPS, dtype=jnp.int32)[:, None]
    pad_sites = N + (padrow * K + offs) % NPS
    idxp = jnp.concatenate([idxp, pad_sites], axis=0)
    rfull = (offs // 2) * NPAD + idxp
    idxb = rfull.reshape(NCH, SUB, G, K).transpose(0, 3, 1, 2)
    idxb = idxb.reshape(NCH, GPC, G)
    idxb = jnp.pad(idxb, ((0, 0), (0, GPAD - GPC), (0, 0)))

    xp2, zinit = _prep(x.astype(f32))

    def wpack(W, bias):
        w = jnp.pad(W.astype(f32), ((0, KS - K), (0, 0), (0, 0)))
        wr = w.reshape(NSLOT, 2, C, C).transpose(0, 2, 1, 3).reshape(
            NSLOT, C, 2 * C)
        bv = jnp.zeros((KS, C), f32).at[KC].set(bias).reshape(
            NSLOT, 1, 2 * C)
        return wr, bv

    w1r, bvec1 = wpack(W1, jnp.zeros((C,), f32))
    w2r, bvec2 = wpack(W2, b2)

    st1 = _stats(xp2, xp2)
    h1 = _transform(xp2, xp2, st1, gamma1, beta1, w1r, bvec1)
    e1, o1 = _sc_conv(h1.reshape(NSLOT * NPAD, 2 * C), idxb, zinit)
    st2 = _stats(e1, o1)
    h2 = _transform(e1, o1, st2, gamma2, beta2, w2r, bvec2)
    e2, o2 = _sc_conv(h2.reshape(NSLOT * NPAD, 2 * C), idxb, zinit)
    out = _combine(e2, o2, xp2)
    return out[:N]

# --- scband reference (transcript-rebuilt; emitter-appended) ---
"""Pipeline reference for scband-sparse-residual-block-66383014527054 (READ-ONLY COPY).

The authoritative reference and input builder live on the scoring server;
editing this copy changes nothing except your own understanding.
"""

import jax, jax.numpy as jnp
import numpy as np

N = 100000
C = 64
K = 27  # 3x3x3 submanifold kernel
EPS = 1e-4


def setup_inputs(seed: int = 0) -> dict:
    key = jax.random.key(seed)
    ks = jax.random.split(key, 8)
    x = jax.random.normal(ks[0], (N, C), dtype=jnp.float32)
    # neighbor rulebook: for each active site, index of the active site at each of
    # the 27 kernel offsets; center offset (13) is the site itself (submanifold).
    neighbor_idx = jax.random.randint(ks[1], (N, K), 0, N, dtype=jnp.int64)
    neighbor_idx = neighbor_idx.at[:, K // 2].set(jnp.arange(N, dtype=jnp.int64))
    # validity mask: ~50% of off-center offsets have an active neighbor
    neighbor_mask = (jax.random.uniform(ks[2], (N, K)) < 0.5).astype(jnp.float32)
    neighbor_mask = neighbor_mask.at[:, K // 2].set(1.0)
    scale = 1.0 / np.sqrt(C * K)
    W1 = jax.random.normal(ks[3], (K, C, C), dtype=jnp.float32) * scale
    b1 = jnp.zeros((C,), dtype=jnp.float32)
    W2 = jax.random.normal(ks[4], (K, C, C), dtype=jnp.float32) * scale
    b2 = jnp.zeros((C,), dtype=jnp.float32)
    gamma1 = jnp.ones((C,), dtype=jnp.float32)
    beta1 = jnp.zeros((C,), dtype=jnp.float32)
    gamma2 = jnp.ones((C,), dtype=jnp.float32)
    beta2 = jnp.zeros((C,), dtype=jnp.float32)
    return {
        "x": x,
        "neighbor_idx": neighbor_idx,
        "neighbor_mask": neighbor_mask,
        "W1": W1, "b1": b1, "W2": W2, "b2": b2,
        "gamma1": gamma1, "beta1": beta1, "gamma2": gamma2, "beta2": beta2,
    }


def bn_relu(x, gamma, beta):
    mean = jnp.mean(x, axis=0)
    var = jnp.var(x, axis=0)
    xn = (x - mean) / jnp.sqrt(var + EPS)
    return jax.nn.relu(xn * gamma + beta)


def subm_conv(x, neighbor_idx, neighbor_mask, W, b):
    # gather neighbor features per kernel offset, mask out inactive sites,
    # then per-offset matmul accumulated over offsets
    g = jnp.take(x, neighbor_idx, axis=0) * neighbor_mask[:, :, None]  # [N, K, C]
    return jnp.einsum('nkc,kcd->nd', g, W) + b


def reference(x, neighbor_idx, neighbor_mask, W1, b1, W2, b2, gamma1, beta1, gamma2, beta2):
    residual = x
    out = bn_relu(x, gamma1, beta1)
    out = subm_conv(out, neighbor_idx, neighbor_mask, W1, b1)
    out = bn_relu(out, gamma2, beta2)
    out = subm_conv(out, neighbor_idx, neighbor_mask, W2, b2)
    out = out + residual
    return out

if __name__ == "__main__":
    import jax
    _d = setup_inputs()
    print(jax.jit(kernel)(*tuple(_d.values())))

</pallas_src>

<mosaic_0001>
#map = affine_map<(d0, d1) -> (0, 0)>
#map1 = affine_map<(d0, d1) -> (0, 0, 0)>
module attributes {stable_mosaic.version = 14 : i64} {
  func.func @conv(%arg0: i32, %arg1: i32, %arg2: memref<1419264x128xf32, #tpu.memory_space<hbm>>, %arg3: memref<264x88x128xi32, #tpu.memory_space<hbm>>, %arg4: memref<101376x128xf32, #tpu.memory_space<hbm>>, %arg5: memref<101376x128xf32, #tpu.memory_space<hbm>>, %arg6: memref<101376x128xf32, #tpu.memory_space<hbm>>, %arg7: memref<88x128xi32, #tpu.memory_space<vmem>>, %arg8: memref<384x128xf32, #tpu.memory_space<vmem>>, %arg9: memref<384x128xf32, #tpu.memory_space<vmem>>, %arg10: memref<!tpu.dma_semaphore, #tpu.memory_space<semaphore_mem>>) attributes {dimension_semantics = [#tpu.dimension_semantics<core_parallel>, #tpu.dimension_semantics<subcore_parallel>], iteration_bounds = array<i64: 2, 16>, scalar_prefetch = 0 : i64, scratch_operands = 4 : i64, tpu.core_type = #tpu.core_type<sc_vector_subcore>, window_params = [{transform_indices = #map}, {transform_indices = #map1}, {transform_indices = #map}, {transform_indices = #map}, {transform_indices = #map}]} {
    %mul3A = arith.constant 2 : i32
    %mul3A_0 = arith.muli %arg1, %mul3A : i32
    %add3A = arith.addi %mul3A_0, %arg0 : i32
    %scan3A = arith.constant 0 : i32
    %scan3A_1 = arith.constant 0 : i32
    %scan3A_2 = arith.constant 8 : i32
    %scan3A_3 = arith.addi %scan3A_1, %scan3A_2 : i32
    %scan3A_4 = arith.constant 1 : i32
    scf.for %scan3A_8 = %scan3A_1 to %scan3A_3 step %scan3A_4  : i32 {
      %mul3A_9 = arith.constant 32 : i32
      %mul3A_10 = arith.muli %scan3A_8, %mul3A_9 : i32
      %add3A_11 = arith.addi %add3A, %mul3A_10 : i32
      %mul3A_12 = arith.constant 384 : i32
      %mul3A_13 = arith.muli %add3A_11, %mul3A_12 : i32
      "tpu.region"() ({
        %run_scoped3A = tpu.sem_alloc : memref<!tpu.dma_semaphore, #tpu.memory_space<semaphore_mem>>
        %dma_start3A = arith.constant 0 : i32
        %dma_start3A_32 = arith.constant 0 : i32
        %dma_start3A_33 = tpu.memref_slice %arg3[%add3A_11, %dma_start3A, %dma_start3A_32] : memref<264x88x128xi32, #tpu.memory_space<hbm>> -> memref<1x88x128xi32, #tpu.memory_space<hbm>>
        %dma_start3A_34 = tpu.memref_squeeze %dma_start3A_33 : memref<1x88x128xi32, #tpu.memory_space<hbm>> -> memref<88x128xi32, #tpu.memory_space<hbm>>
        %dma_start3A_35 = arith.constant 0 : i32
        %dma_start3A_36 = arith.constant 0 : i32
        %dma_start3A_37 = tpu.memref_slice %arg3[%add3A_11, %dma_start3A_35, %dma_start3A_36] : memref<264x88x128xi32, #tpu.memory_space<hbm>> -> memref<1x88x128xi32, #tpu.memory_space<hbm>>
        %dma_start3A_38 = tpu.memref_squeeze %dma_start3A_37 : memref<1x88x128xi32, #tpu.memory_space<hbm>> -> memref<88x128xi32, #tpu.memory_space<hbm>>
        tpu.enqueue_dma source(%dma_start3A_38 : memref<88x128xi32, #tpu.memory_space<hbm>>) target(%arg7 : memref<88x128xi32, #tpu.memory_space<vmem>>) target_semaphore(%run_scoped3A : memref<!tpu.dma_semaphore, #tpu.memory_space<semaphore_mem>>)
        %dma_wait3A = arith.constant 0 : i32
        %dma_wait3A_39 = arith.constant 0 : i32
        %dma_wait3A_40 = tpu.memref_slice %arg3[%add3A_11, %dma_wait3A, %dma_wait3A_39] : memref<264x88x128xi32, #tpu.memory_space<hbm>> -> memref<1x88x128xi32, #tpu.memory_space<hbm>>
        %dma_wait3A_41 = tpu.memref_squeeze %dma_wait3A_40 : memref<1x88x128xi32, #tpu.memory_space<hbm>> -> memref<88x128xi32, #tpu.memory_space<hbm>>
        %dma_wait3A_42 = arith.constant 0 : i32
        %dma_wait3A_43 = arith.constant 0 : i32
        %dma_wait3A_44 = tpu.memref_slice %arg3[%add3A_11, %dma_wait3A_42, %dma_wait3A_43] : memref<264x88x128xi32, #tpu.memory_space<hbm>> -> memref<1x88x128xi32, #tpu.memory_space<hbm>>
        %dma_wait3A_45 = tpu.memref_squeeze %dma_wait3A_44 : memref<1x88x128xi32, #tpu.memory_space<hbm>> -> memref<88x128xi32, #tpu.memory_space<hbm>>
        tpu.wait_dma2 semaphore(%run_scoped3A : memref<!tpu.dma_semaphore, #tpu.memory_space<semaphore_mem>>) src(%dma_wait3A_45 : memref<88x128xi32, #tpu.memory_space<hbm>>) dst(%arg7 : memref<88x128xi32, #tpu.memory_space<vmem>>)
        tpu.yield
      }) : () -> ()
      "tpu.region"() ({
        %run_scoped3A = tpu.sem_alloc : memref<!tpu.dma_semaphore, #tpu.memory_space<semaphore_mem>>
        %dma_start3A = arith.constant 0 : i32
        %dma_start3A_32 = tpu.memref_slice %arg4[%mul3A_13, %dma_start3A] : memref<101376x128xf32, #tpu.memory_space<hbm>> -> memref<384x128xf32, #tpu.memory_space<hbm>>
        %dma_start3A_33 = arith.constant 0 : i32
        %dma_start3A_34 = tpu.memref_slice %arg4[%mul3A_13, %dma_start3A_33] : memref<101376x128xf32, #tpu.memory_space<hbm>> -> memref<384x128xf32, #tpu.memory_space<hbm>>
        tpu.enqueue_dma source(%dma_start3A_34 : memref<384x128xf32, #tpu.memory_space<hbm>>) target(%arg8 : memref<384x128xf32, #tpu.memory_space<vmem>>) target_semaphore(%run_scoped3A : memref<!tpu.dma_semaphore, #tpu.memory_space<semaphore_mem>>)
        %dma_wait3A = arith.constant 0 : i32
        %dma_wait3A_35 = tpu.memref_slice %arg4[%mul3A_13, %dma_wait3A] : memref<101376x128xf32, #tpu.memory_space<hbm>> -> memref<384x128xf32, #tpu.memory_space<hbm>>
        %dma_wait3A_36 = arith.constant 0 : i32
        %dma_wait3A_37 = tpu.memref_slice %arg4[%mul3A_13, %dma_wait3A_36] : memref<101376x128xf32, #tpu.memory_space<hbm>> -> memref<384x128xf32, #tpu.memory_space<hbm>>
        tpu.wait_dma2 semaphore(%run_scoped3A : memref<!tpu.dma_semaphore, #tpu.memory_space<semaphore_mem>>) src(%dma_wait3A_37 : memref<384x128xf32, #tpu.memory_space<hbm>>) dst(%arg8 : memref<384x128xf32, #tpu.memory_space<vmem>>)
        tpu.yield
      }) : () -> ()
      "tpu.region"() ({
        %run_scoped3A = tpu.sem_alloc : memref<!tpu.dma_semaphore, #tpu.memory_space<semaphore_mem>>
        %dma_start3A = arith.constant 0 : i32
        %dma_start3A_32 = tpu.memref_slice %arg4[%mul3A_13, %dma_start3A] : memref<101376x128xf32, #tpu.memory_space<hbm>> -> memref<384x128xf32, #tpu.memory_space<hbm>>
        %dma_start3A_33 = arith.constant 0 : i32
        %dma_start3A_34 = tpu.memref_slice %arg4[%mul3A_13, %dma_start3A_33] : memref<101376x128xf32, #tpu.memory_space<hbm>> -> memref<384x128xf32, #tpu.memory_space<hbm>>
        tpu.enqueue_dma source(%dma_start3A_34 : memref<384x128xf32, #tpu.memory_space<hbm>>) target(%arg9 : memref<384x128xf32, #tpu.memory_space<vmem>>) target_semaphore(%run_scoped3A : memref<!tpu.dma_semaphore, #tpu.memory_space<semaphore_mem>>)
        %dma_wait3A = arith.constant 0 : i32
        %dma_wait3A_35 = tpu.memref_slice %arg4[%mul3A_13, %dma_wait3A] : memref<101376x128xf32, #tpu.memory_space<hbm>> -> memref<384x128xf32, #tpu.memory_space<hbm>>
        %dma_wait3A_36 = arith.constant 0 : i32
        %dma_wait3A_37 = tpu.memref_slice %arg4[%mul3A_13, %dma_wait3A_36] : memref<101376x128xf32, #tpu.memory_space<hbm>> -> memref<384x128xf32, #tpu.memory_space<hbm>>
        tpu.wait_dma2 semaphore(%run_scoped3A : memref<!tpu.dma_semaphore, #tpu.memory_space<semaphore_mem>>) src(%dma_wait3A_37 : memref<384x128xf32, #tpu.memory_space<hbm>>) dst(%arg9 : memref<384x128xf32, #tpu.memory_space<vmem>>)
        tpu.yield
      }) : () -> ()
      %scan3A_14 = arith.constant 0 : i32
      %scan3A_15 = arith.constant 0 : i32
      %scan3A_16 = arith.constant 42 : i32
      %scan3A_17 = arith.addi %scan3A_15, %scan3A_16 : i32
      %scan3A_18 = arith.constant 1 : i32
      scf.for %scan3A_32 = %scan3A_15 to %scan3A_17 step %scan3A_18  : i32 {
        %rem3A = arith.constant 3 : i32
        %rem3A_33 = arith.remsi %scan3A_32, %rem3A : i32
        %jit3A = arith.constant 3 : i32
        %div3A = arith.divsi %scan3A_32, %jit3A : i32
        %sign3A = arith.constant 0 : i32
        %sign3A_34 = arith.cmpi sgt, %scan3A_32, %sign3A : i32
        %sign3A_35 = arith.extui %sign3A_34 : i1 to i32
        %sign3A_36 = arith.constant 0 : i32
        %sign3A_37 = arith.cmpi slt, %scan3A_32, %sign3A_36 : i32
        %sign3A_38 = arith.extui %sign3A_37 : i1 to i32
        %sign3A_39 = arith.subi %sign3A_35, %sign3A_38 : i32
        %sign3A_40 = arith.constant 0 : i32
        %sign3A_41 = arith.cmpi sgt, %jit3A, %sign3A_40 : i32
        %sign3A_42 = arith.extui %sign3A_41 : i1 to i32
        %sign3A_43 = arith.constant 0 : i32
        %sign3A_44 = arith.cmpi slt, %jit3A, %sign3A_43 : i32
        %sign3A_45 = arith.extui %sign3A_44 : i1 to i32
        %sign3A_46 = arith.subi %sign3A_42, %sign3A_45 : i32
        %ne3A = arith.cmpi ne, %sign3A_39, %sign3A_46 : i32
        %rem3A_47 = arith.remsi %scan3A_32, %jit3A : i32
        %ne3A_48 = arith.constant 0 : i32
        %ne3A_49 = arith.cmpi ne, %rem3A_47, %ne3A_48 : i32
        %and3A = arith.andi %ne3A, %ne3A_49 : i1
        %sub3A = arith.constant 1 : i32
        %sub3A_50 = arith.subi %div3A, %sub3A : i32
        %select_n3A = arith.select %and3A, %sub3A_50, %div3A : i32
        %mul3A_51 = arith.constant 6 : i32
        %mul3A_52 = arith.muli %select_n3A, %mul3A_51 : i32
        %add3A_53 = arith.addi %mul3A_52, %rem3A_33 : i32
        %mul3A_54 = arith.constant 128 : i32
        %mul3A_55 = arith.muli %rem3A_33, %mul3A_54 : i32
        %dma_start3A = arith.constant 0 : i32
        %dma_start3A_56 = tpu.memref_slice %arg8[%mul3A_55, %dma_start3A] : memref<384x128xf32, #tpu.memory_space<vmem>> -> memref<128x128xf32, #tpu.memory_space<vmem>>
        %dma_start3A_57 = arith.constant 0 : i32
        %dma_start3A_58 = tpu.memref_slice %arg7[%add3A_53, %dma_start3A_57] : memref<88x128xi32, #tpu.memory_space<vmem>> -> memref<1x128xi32, #tpu.memory_space<vmem>>
        %dma_start3A_59 = tpu.memref_squeeze %dma_start3A_58 : memref<1x128xi32, #tpu.memory_space<vmem>> -> memref<128xi32, #tpu.memory_space<vmem>>
        %dma_start3A_60 = arith.constant 0 : i32
        %dma_start3A_61 = arith.constant 0 : i32
        %dma_start3A_62 = tpu.memref_slice %arg2[%dma_start3A_60, %dma_start3A_61] : memref<1419264x128xf32, #tpu.memory_space<hbm>> -> memref<1419264x128xf32, #tpu.memory_space<hbm>>
        tpu.enqueue_indirect_dma source(%dma_start3A_62 : memref<1419264x128xf32, #tpu.memory_space<hbm>>) target(%dma_start3A_56 : memref<128x128xf32, #tpu.memory_space<vmem>>) offsets(%dma_start3A_59 : memref<128xi32, #tpu.memory_space<vmem>>) semaphore(%arg10 : memref<!tpu.dma_semaphore, #tpu.memory_space<semaphore_mem>>) {add = true}
      }
      %scan3A_19 = arith.constant 42 : i32
      %scan3A_20 = arith.constant 0 : i32
      %scan3A_21 = arith.constant 0 : i32
      %scan3A_22 = arith.constant 39 : i32
      %scan3A_23 = arith.addi %scan3A_21, %scan3A_22 : i32
      %scan3A_24 = arith.constant 1 : i32
      scf.for %scan3A_32 = %scan3A_21 to %scan3A_23 step %scan3A_24  : i32 {
        %rem3A = arith.constant 3 : i32
        %rem3A_33 = arith.remsi %scan3A_32, %rem3A : i32
        %jit3A = arith.constant 3 : i32
        %div3A = arith.divsi %scan3A_32, %jit3A : i32
        %sign3A = arith.constant 0 : i32
        %sign3A_34 = arith.cmpi sgt, %scan3A_32, %sign3A : i32
        %sign3A_35 = arith.extui %sign3A_34 : i1 to i32
        %sign3A_36 = arith.constant 0 : i32
        %sign3A_37 = arith.cmpi slt, %scan3A_32, %sign3A_36 : i32
        %sign3A_38 = arith.extui %sign3A_37 : i1 to i32
        %sign3A_39 = arith.subi %sign3A_35, %sign3A_38 : i32
        %sign3A_40 = arith.constant 0 : i32
        %sign3A_41 = arith.cmpi sgt, %jit3A, %sign3A_40 : i32
        %sign3A_42 = arith.extui %sign3A_41 : i1 to i32
        %sign3A_43 = arith.constant 0 : i32
        %sign3A_44 = arith.cmpi slt, %jit3A, %sign3A_43 : i32
        %sign3A_45 = arith.extui %sign3A_44 : i1 to i32
        %sign3A_46 = arith.subi %sign3A_42, %sign3A_45 : i32
        %ne3A = arith.cmpi ne, %sign3A_39, %sign3A_46 : i32
        %rem3A_47 = arith.remsi %scan3A_32, %jit3A : i32
        %ne3A_48 = arith.constant 0 : i32
        %ne3A_49 = arith.cmpi ne, %rem3A_47, %ne3A_48 : i32
        %and3A = arith.andi %ne3A, %ne3A_49 : i1
        %sub3A = arith.constant 1 : i32
        %sub3A_50 = arith.subi %div3A, %sub3A : i32
        %select_n3A = arith.select %and3A, %sub3A_50, %div3A : i32
        %mul3A_51 = arith.constant 6 : i32
        %mul3A_52 = arith.muli %select_n3A, %mul3A_51 : i32
        %add3A_53 = arith.constant 3 : i32
        %add3A_54 = arith.addi %mul3A_52, %add3A_53 : i32
        %add3A_55 = arith.addi %add3A_54, %rem3A_33 : i32
        %mul3A_56 = arith.constant 128 : i32
        %mul3A_57 = arith.muli %rem3A_33, %mul3A_56 : i32
        %dma_start3A = arith.constant 0 : i32
        %dma_start3A_58 = tpu.memref_slice %arg9[%mul3A_57, %dma_start3A] : memref<384x128xf32, #tpu.memory_space<vmem>> -> memref<128x128xf32, #tpu.memory_space<vmem>>
        %dma_start3A_59 = arith.constant 0 : i32
        %dma_start3A_60 = tpu.memref_slice %arg7[%add3A_55, %dma_start3A_59] : memref<88x128xi32, #tpu.memory_space<vmem>> -> memref<1x128xi32, #tpu.memory_space<vmem>>
        %dma_start3A_61 = tpu.memref_squeeze %dma_start3A_60 : memref<1x128xi32, #tpu.memory_space<vmem>> -> memref<128xi32, #tpu.memory_space<vmem>>
        %dma_start3A_62 = arith.constant 0 : i32
        %dma_start3A_63 = arith.constant 0 : i32
        %dma_start3A_64 = tpu.memref_slice %arg2[%dma_start3A_62, %dma_start3A_63] : memref<1419264x128xf32, #tpu.memory_space<hbm>> -> memref<1419264x128xf32, #tpu.memory_space<hbm>>
        tpu.enqueue_indirect_dma source(%dma_start3A_64 : memref<1419264x128xf32, #tpu.memory_space<hbm>>) target(%dma_start3A_58 : memref<128x128xf32, #tpu.memory_space<vmem>>) offsets(%dma_start3A_61 : memref<128xi32, #tpu.memory_space<vmem>>) semaphore(%arg10 : memref<!tpu.dma_semaphore, #tpu.memory_space<semaphore_mem>>) {add = true}
      }
      %scan3A_25 = arith.constant 39 : i32
      %scan3A_26 = arith.constant 0 : i32
      %scan3A_27 = arith.constant 0 : i32
      %scan3A_28 = arith.constant 81 : i32
      %scan3A_29 = arith.addi %scan3A_27, %scan3A_28 : i32
      %scan3A_30 = arith.constant 1 : i32
      scf.for %scan3A_32 = %scan3A_27 to %scan3A_29 step %scan3A_30  : i32 {
        %dma_wait3A = arith.constant 0 : i32
        %dma_wait3A_33 = arith.constant 0 : i32
        %dma_wait3A_34 = arith.constant 0 : i32
        %dma_wait3A_35 = tpu.memref_slice %arg8[%dma_wait3A_33, %dma_wait3A_34] : memref<384x128xf32, #tpu.memory_space<vmem>> -> memref<128x128xf32, #tpu.memory_space<vmem>>
        %dma_wait3A_36 = arith.constant 0 : i32
        %dma_wait3A_37 = tpu.memref_slice %arg7[%dma_wait3A, %dma_wait3A_36] : memref<88x128xi32, #tpu.memory_space<vmem>> -> memref<1x128xi32, #tpu.memory_space<vmem>>
        %dma_wait3A_38 = tpu.memref_squeeze %dma_wait3A_37 : memref<1x128xi32, #tpu.memory_space<vmem>> -> memref<128xi32, #tpu.memory_space<vmem>>
        %dma_wait3A_39 = arith.constant 0 : i32
        %dma_wait3A_40 = arith.constant 0 : i32
        %dma_wait3A_41 = tpu.memref_slice %arg2[%dma_wait3A_39, %dma_wait3A_40] : memref<1419264x128xf32, #tpu.memory_space<hbm>> -> memref<1419264x128xf32, #tpu.memory_space<hbm>>
        tpu.wait_indirect_dma semaphore(%arg10 : memref<!tpu.dma_semaphore, #tpu.memory_space<semaphore_mem>>) src(%dma_wait3A_41 : memref<1419264x128xf32, #tpu.memory_space<hbm>>) dst(%dma_wait3A_35 : memref<128x128xf32, #tpu.memory_space<vmem>>)
      }
      %scan3A_31 = arith.constant 81 : i32
      "tpu.region"() ({
        %run_scoped3A = tpu.sem_alloc : memref<!tpu.dma_semaphore, #tpu.memory_space<semaphore_mem>>
        %dma_start3A = arith.constant 0 : i32
        %dma_start3A_32 = tpu.memref_slice %arg5[%mul3A_13, %dma_start3A] : memref<101376x128xf32, #tpu.memory_space<hbm>> -> memref<384x128xf32, #tpu.memory_space<hbm>>
        %dma_start3A_33 = arith.constant 0 : i32
        %dma_start3A_34 = tpu.memref_slice %arg5[%mul3A_13, %dma_start3A_33] : memref<101376x128xf32, #tpu.memory_space<hbm>> -> memref<384x128xf32, #tpu.memory_space<hbm>>
        tpu.enqueue_dma source(%arg8 : memref<384x128xf32, #tpu.memory_space<vmem>>) target(%dma_start3A_34 : memref<384x128xf32, #tpu.memory_space<hbm>>) target_semaphore(%run_scoped3A : memref<!tpu.dma_semaphore, #tpu.memory_space<semaphore_mem>>)
        %dma_wait3A = arith.constant 0 : i32
        %dma_wait3A_35 = tpu.memref_slice %arg5[%mul3A_13, %dma_wait3A] : memref<101376x128xf32, #tpu.memory_space<hbm>> -> memref<384x128xf32, #tpu.memory_space<hbm>>
        %dma_wait3A_36 = arith.constant 0 : i32
        %dma_wait3A_37 = tpu.memref_slice %arg5[%mul3A_13, %dma_wait3A_36] : memref<101376x128xf32, #tpu.memory_space<hbm>> -> memref<384x128xf32, #tpu.memory_space<hbm>>
        tpu.wait_dma2 semaphore(%run_scoped3A : memref<!tpu.dma_semaphore, #tpu.memory_space<semaphore_mem>>) src(%arg8 : memref<384x128xf32, #tpu.memory_space<vmem>>) dst(%dma_wait3A_37 : memref<384x128xf32, #tpu.memory_space<hbm>>)
        tpu.yield
      }) : () -> ()
      "tpu.region"() ({
        %run_scoped3A = tpu.sem_alloc : memref<!tpu.dma_semaphore, #tpu.memory_space<semaphore_mem>>
        %dma_start3A = arith.constant 0 : i32
        %dma_start3A_32 = tpu.memref_slice %arg6[%mul3A_13, %dma_start3A] : memref<101376x128xf32, #tpu.memory_space<hbm>> -> memref<384x128xf32, #tpu.memory_space<hbm>>
        %dma_start3A_33 = arith.constant 0 : i32
        %dma_start3A_34 = tpu.memref_slice %arg6[%mul3A_13, %dma_start3A_33] : memref<101376x128xf32, #tpu.memory_space<hbm>> -> memref<384x128xf32, #tpu.memory_space<hbm>>
        tpu.enqueue_dma source(%arg9 : memref<384x128xf32, #tpu.memory_space<vmem>>) target(%dma_start3A_34 : memref<384x128xf32, #tpu.memory_space<hbm>>) target_semaphore(%run_scoped3A : memref<!tpu.dma_semaphore, #tpu.memory_space<semaphore_mem>>)
        %dma_wait3A = arith.constant 0 : i32
        %dma_wait3A_35 = tpu.memref_slice %arg6[%mul3A_13, %dma_wait3A] : memref<101376x128xf32, #tpu.memory_space<hbm>> -> memref<384x128xf32, #tpu.memory_space<hbm>>
        %dma_wait3A_36 = arith.constant 0 : i32
        %dma_wait3A_37 = tpu.memref_slice %arg6[%mul3A_13, %dma_wait3A_36] : memref<101376x128xf32, #tpu.memory_space<hbm>> -> memref<384x128xf32, #tpu.memory_space<hbm>>
        tpu.wait_dma2 semaphore(%run_scoped3A : memref<!tpu.dma_semaphore, #tpu.memory_space<semaphore_mem>>) src(%arg9 : memref<384x128xf32, #tpu.memory_space<vmem>>) dst(%dma_wait3A_37 : memref<384x128xf32, #tpu.memory_space<hbm>>)
        tpu.yield
      }) : () -> ()
    }
    %scan3A_5 = arith.constant 8 : i32
    %lt3A = arith.constant 24 : i32
    %lt3A_6 = arith.cmpi slt, %add3A, %lt3A : i32
    %convert_element_type3A = arith.extui %lt3A_6 : i1 to i32
    %cond3A = arith.constant 0 : i32
    %cond3A_7 = arith.cmpi ne, %convert_element_type3A, %cond3A : i32
    scf.if %cond3A_7 {
      %jit3A = arith.constant 3 : i32
      %div3A = arith.divsi %add3A, %jit3A : i32
      %sign3A = arith.constant 0 : i32
      %sign3A_8 = arith.cmpi sgt, %add3A, %sign3A : i32
      %sign3A_9 = arith.extui %sign3A_8 : i1 to i32
      %sign3A_10 = arith.constant 0 : i32
      %sign3A_11 = arith.cmpi slt, %add3A, %sign3A_10 : i32
      %sign3A_12 = arith.extui %sign3A_11 : i1 to i32
      %sign3A_13 = arith.subi %sign3A_9, %sign3A_12 : i32
      %sign3A_14 = arith.constant 0 : i32
      %sign3A_15 = arith.cmpi sgt, %jit3A, %sign3A_14 : i32
      %sign3A_16 = arith.extui %sign3A_15 : i1 to i32
      %sign3A_17 = arith.constant 0 : i32
      %sign3A_18 = arith.cmpi slt, %jit3A, %sign3A_17 : i32
      %sign3A_19 = arith.extui %sign3A_18 : i1 to i32
      %sign3A_20 = arith.subi %sign3A_16, %sign3A_19 : i32
      %ne3A = arith.cmpi ne, %sign3A_13, %sign3A_20 : i32
      %rem3A = arith.remsi %add3A, %jit3A : i32
      %ne3A_21 = arith.constant 0 : i32
      %ne3A_22 = arith.cmpi ne, %rem3A, %ne3A_21 : i32
      %and3A = arith.andi %ne3A, %ne3A_22 : i1
      %sub3A = arith.constant 1 : i32
      %sub3A_23 = arith.subi %div3A, %sub3A : i32
      %select_n3A = arith.select %and3A, %sub3A_23, %div3A : i32
      %add3A_24 = arith.constant 256 : i32
      %add3A_25 = arith.addi %add3A_24, %select_n3A : i32
      %rem3A_26 = arith.constant 3 : i32
      %rem3A_27 = arith.remsi %add3A, %rem3A_26 : i32
      %mul3A_28 = arith.constant 384 : i32
      %mul3A_29 = arith.muli %add3A_25, %mul3A_28 : i32
      %mul3A_30 = arith.constant 128 : i32
      %mul3A_31 = arith.muli %rem3A_27, %mul3A_30 : i32
      %add3A_32 = arith.addi %mul3A_29, %mul3A_31 : i32
      "tpu.region"() ({
        %run_scoped3A = tpu.sem_alloc : memref<!tpu.dma_semaphore, #tpu.memory_space<semaphore_mem>>
        %dma_start3A = arith.constant 0 : i32
        %dma_start3A_51 = arith.constant 0 : i32
        %dma_start3A_52 = tpu.memref_slice %arg3[%add3A_25, %dma_start3A, %dma_start3A_51] : memref<264x88x128xi32, #tpu.memory_space<hbm>> -> memref<1x88x128xi32, #tpu.memory_space<hbm>>
        %dma_start3A_53 = tpu.memref_squeeze %dma_start3A_52 : memref<1x88x128xi32, #tpu.memory_space<hbm>> -> memref<88x128xi32, #tpu.memory_space<hbm>>
        %dma_start3A_54 = arith.constant 0 : i32
        %dma_start3A_55 = arith.constant 0 : i32
        %dma_start3A_56 = tpu.memref_slice %arg3[%add3A_25, %dma_start3A_54, %dma_start3A_55] : memref<264x88x128xi32, #tpu.memory_space<hbm>> -> memref<1x88x128xi32, #tpu.memory_space<hbm>>
        %dma_start3A_57 = tpu.memref_squeeze %dma_start3A_56 : memref<1x88x128xi32, #tpu.memory_space<hbm>> -> memref<88x128xi32, #tpu.memory_space<hbm>>
        tpu.enqueue_dma source(%dma_start3A_57 : memref<88x128xi32, #tpu.memory_space<hbm>>) target(%arg7 : memref<88x128xi32, #tpu.memory_space<vmem>>) target_semaphore(%run_scoped3A : memref<!tpu.dma_semaphore, #tpu.memory_space<semaphore_mem>>)
        %dma_wait3A = arith.constant 0 : i32
        %dma_wait3A_58 = arith.constant 0 : i32
        %dma_wait3A_59 = tpu.memref_slice %arg3[%add3A_25, %dma_wait3A, %dma_wait3A_58] : memref<264x88x128xi32, #tpu.memory_space<hbm>> -> memref<1x88x128xi32, #tpu.memory_space<hbm>>
        %dma_wait3A_60 = tpu.memref_squeeze %dma_wait3A_59 : memref<1x88x128xi32, #tpu.memory_space<hbm>> -> memref<88x128xi32, #tpu.memory_space<hbm>>
        %dma_wait3A_61 = arith.constant 0 : i32
        %dma_wait3A_62 = arith.constant 0 : i32
        %dma_wait3A_63 = tpu.memref_slice %arg3[%add3A_25, %dma_wait3A_61, %dma_wait3A_62] : memref<264x88x128xi32, #tpu.memory_space<hbm>> -> memref<1x88x128xi32, #tpu.memory_space<hbm>>
        %dma_wait3A_64 = tpu.memref_squeeze %dma_wait3A_63 : memref<1x88x128xi32, #tpu.memory_space<hbm>> -> memref<88x128xi32, #tpu.memory_space<hbm>>
        tpu.wait_dma2 semaphore(%run_scoped3A : memref<!tpu.dma_semaphore, #tpu.memory_space<semaphore_mem>>) src(%dma_wait3A_64 : memref<88x128xi32, #tpu.memory_space<hbm>>) dst(%arg7 : memref<88x128xi32, #tpu.memory_space<vmem>>)
        tpu.yield
      }) : () -> ()
      "tpu.region"() ({
        %run_scoped3A = tpu.sem_alloc : memref<!tpu.dma_semaphore, #tpu.memory_space<semaphore_mem>>
        %dma_start3A = arith.constant 0 : i32
        %dma_start3A_51 = arith.constant 0 : i32
        %dma_start3A_52 = tpu.memref_slice %arg8[%dma_start3A, %dma_start3A_51] : memref<384x128xf32, #tpu.memory_space<vmem>> -> memref<128x128xf32, #tpu.memory_space<vmem>>
        %dma_start3A_53 = arith.constant 0 : i32
        %dma_start3A_54 = tpu.memref_slice %arg4[%add3A_32, %dma_start3A_53] : memref<101376x128xf32, #tpu.memory_space<hbm>> -> memref<128x128xf32, #tpu.memory_space<hbm>>
        %dma_start3A_55 = arith.constant 0 : i32
        %dma_start3A_56 = arith.constant 0 : i32
        %dma_start3A_57 = tpu.memref_slice %arg8[%dma_start3A_55, %dma_start3A_56] : memref<384x128xf32, #tpu.memory_space<vmem>> -> memref<128x128xf32, #tpu.memory_space<vmem>>
        %dma_start3A_58 = arith.constant 0 : i32
        %dma_start3A_59 = tpu.memref_slice %arg4[%add3A_32, %dma_start3A_58] : memref<101376x128xf32, #tpu.memory_space<hbm>> -> memref<128x128xf32, #tpu.memory_space<hbm>>
        tpu.enqueue_dma source(%dma_start3A_59 : memref<128x128xf32, #tpu.memory_space<hbm>>) target(%dma_start3A_57 : memref<128x128xf32, #tpu.memory_space<vmem>>) target_semaphore(%run_scoped3A : memref<!tpu.dma_semaphore, #tpu.memory_space<semaphore_mem>>)
        %dma_wait3A = arith.constant 0 : i32
        %dma_wait3A_60 = arith.constant 0 : i32
        %dma_wait3A_61 = tpu.memref_slice %arg8[%dma_wait3A, %dma_wait3A_60] : memref<384x128xf32, #tpu.memory_space<vmem>> -> memref<128x128xf32, #tpu.memory_space<vmem>>
        %dma_wait3A_62 = arith.constant 0 : i32
        %dma_wait3A_63 = tpu.memref_slice %arg4[%add3A_32, %dma_wait3A_62] : memref<101376x128xf32, #tpu.memory_space<hbm>> -> memref<128x128xf32, #tpu.memory_space<hbm>>
        %dma_wait3A_64 = arith.constant 0 : i32
        %dma_wait3A_65 = arith.constant 0 : i32
        %dma_wait3A_66 = tpu.memref_slice %arg8[%dma_wait3A_64, %dma_wait3A_65] : memref<384x128xf32, #tpu.memory_space<vmem>> -> memref<128x128xf32, #tpu.memory_space<vmem>>
        %dma_wait3A_67 = arith.constant 0 : i32
        %dma_wait3A_68 = tpu.memref_slice %arg4[%add3A_32, %dma_wait3A_67] : memref<101376x128xf32, #tpu.memory_space<hbm>> -> memref<128x128xf32, #tpu.memory_space<hbm>>
        tpu.wait_dma2 semaphore(%run_scoped3A : memref<!tpu.dma_semaphore, #tpu.memory_space<semaphore_mem>>) src(%dma_wait3A_68 : memref<128x128xf32, #tpu.memory_space<hbm>>) dst(%dma_wait3A_66 : memref<128x128xf32, #tpu.memory_space<vmem>>)
        tpu.yield
      }) : () -> ()
      "tpu.region"() ({
        %run_scoped3A = tpu.sem_alloc : memref<!tpu.dma_semaphore, #tpu.memory_space<semaphore_mem>>
        %dma_start3A = arith.constant 0 : i32
        %dma_start3A_51 = arith.constant 0 : i32
        %dma_start3A_52 = tpu.memref_slice %arg9[%dma_start3A, %dma_start3A_51] : memref<384x128xf32, #tpu.memory_space<vmem>> -> memref<128x128xf32, #tpu.memory_space<vmem>>
        %dma_start3A_53 = arith.constant 0 : i32
        %dma_start3A_54 = tpu.memref_slice %arg4[%add3A_32, %dma_start3A_53] : memref<101376x128xf32, #tpu.memory_space<hbm>> -> memref<128x128xf32, #tpu.memory_space<hbm>>
        %dma_start3A_55 = arith.constant 0 : i32
        %dma_start3A_56 = arith.constant 0 : i32
        %dma_start3A_57 = tpu.memref_slice %arg9[%dma_start3A_55, %dma_start3A_56] : memref<384x128xf32, #tpu.memory_space<vmem>> -> memref<128x128xf32, #tpu.memory_space<vmem>>
        %dma_start3A_58 = arith.constant 0 : i32
        %dma_start3A_59 = tpu.memref_slice %arg4[%add3A_32, %dma_start3A_58] : memref<101376x128xf32, #tpu.memory_space<hbm>> -> memref<128x128xf32, #tpu.memory_space<hbm>>
        tpu.enqueue_dma source(%dma_start3A_59 : memref<128x128xf32, #tpu.memory_space<hbm>>) target(%dma_start3A_57 : memref<128x128xf32, #tpu.memory_space<vmem>>) target_semaphore(%run_scoped3A : memref<!tpu.dma_semaphore, #tpu.memory_space<semaphore_mem>>)
        %dma_wait3A = arith.constant 0 : i32
        %dma_wait3A_60 = arith.constant 0 : i32
        %dma_wait3A_61 = tpu.memref_slice %arg9[%dma_wait3A, %dma_wait3A_60] : memref<384x128xf32, #tpu.memory_space<vmem>> -> memref<128x128xf32, #tpu.memory_space<vmem>>
        %dma_wait3A_62 = arith.constant 0 : i32
        %dma_wait3A_63 = tpu.memref_slice %arg4[%add3A_32, %dma_wait3A_62] : memref<101376x128xf32, #tpu.memory_space<hbm>> -> memref<128x128xf32, #tpu.memory_space<hbm>>
        %dma_wait3A_64 = arith.constant 0 : i32
        %dma_wait3A_65 = arith.constant 0 : i32
        %dma_wait3A_66 = tpu.memref_slice %arg9[%dma_wait3A_64, %dma_wait3A_65] : memref<384x128xf32, #tpu.memory_space<vmem>> -> memref<128x128xf32, #tpu.memory_space<vmem>>
        %dma_wait3A_67 = arith.constant 0 : i32
        %dma_wait3A_68 = tpu.memref_slice %arg4[%add3A_32, %dma_wait3A_67] : memref<101376x128xf32, #tpu.memory_space<hbm>> -> memref<128x128xf32, #tpu.memory_space<hbm>>
        tpu.wait_dma2 semaphore(%run_scoped3A : memref<!tpu.dma_semaphore, #tpu.memory_space<semaphore_mem>>) src(%dma_wait3A_68 : memref<128x128xf32, #tpu.memory_space<hbm>>) dst(%dma_wait3A_66 : memref<128x128xf32, #tpu.memory_space<vmem>>)
        tpu.yield
      }) : () -> ()
      %scan3A_33 = arith.constant 0 : i32
      %scan3A_34 = arith.constant 0 : i32
      %scan3A_35 = arith.constant 14 : i32
      %scan3A_36 = arith.addi %scan3A_34, %scan3A_35 : i32
      %scan3A_37 = arith.constant 1 : i32
      scf.for %scan3A_51 = %scan3A_34 to %scan3A_36 step %scan3A_37  : i32 {
        %mul3A_52 = arith.constant 6 : i32
        %mul3A_53 = arith.muli %scan3A_51, %mul3A_52 : i32
        %add3A_54 = arith.addi %mul3A_53, %rem3A_27 : i32
        %dma_start3A = arith.constant 0 : i32
        %dma_start3A_55 = arith.constant 0 : i32
        %dma_start3A_56 = tpu.memref_slice %arg8[%dma_start3A, %dma_start3A_55] : memref<384x128xf32, #tpu.memory_space<vmem>> -> memref<128x128xf32, #tpu.memory_space<vmem>>
        %dma_start3A_57 = arith.constant 0 : i32
        %dma_start3A_58 = tpu.memref_slice %arg7[%add3A_54, %dma_start3A_57] : memref<88x128xi32, #tpu.memory_space<vmem>> -> memref<1x128xi32, #tpu.memory_space<vmem>>
        %dma_start3A_59 = tpu.memref_squeeze %dma_start3A_58 : memref<1x128xi32, #tpu.memory_space<vmem>> -> memref<128xi32, #tpu.memory_space<vmem>>
        %dma_start3A_60 = arith.constant 0 : i32
        %dma_start3A_61 = arith.constant 0 : i32
        %dma_start3A_62 = tpu.memref_slice %arg2[%dma_start3A_60, %dma_start3A_61] : memref<1419264x128xf32, #tpu.memory_space<hbm>> -> memref<1419264x128xf32, #tpu.memory_space<hbm>>
        tpu.enqueue_indirect_dma source(%dma_start3A_62 : memref<1419264x128xf32, #tpu.memory_space<hbm>>) target(%dma_start3A_56 : memref<128x128xf32, #tpu.memory_space<vmem>>) offsets(%dma_start3A_59 : memref<128xi32, #tpu.memory_space<vmem>>) semaphore(%arg10 : memref<!tpu.dma_semaphore, #tpu.memory_space<semaphore_mem>>) {add = true}
      }
      %scan3A_38 = arith.constant 14 : i32
      %scan3A_39 = arith.constant 0 : i32
      %scan3A_40 = arith.constant 0 : i32
      %scan3A_41 = arith.constant 13 : i32
      %scan3A_42 = arith.addi %scan3A_40, %scan3A_41 : i32
      %scan3A_43 = arith.constant 1 : i32
      scf.for %scan3A_51 = %scan3A_40 to %scan3A_42 step %scan3A_43  : i32 {
        %mul3A_52 = arith.constant 6 : i32
        %mul3A_53 = arith.muli %scan3A_51, %mul3A_52 : i32
        %add3A_54 = arith.constant 3 : i32
        %add3A_55 = arith.addi %mul3A_53, %add3A_54 : i32
        %add3A_56 = arith.addi %add3A_55, %rem3A_27 : i32
        %dma_start3A = arith.constant 0 : i32
        %dma_start3A_57 = arith.constant 0 : i32
        %dma_start3A_58 = tpu.memref_slice %arg9[%dma_start3A, %dma_start3A_57] : memref<384x128xf32, #tpu.memory_space<vmem>> -> memref<128x128xf32, #tpu.memory_space<vmem>>
        %dma_start3A_59 = arith.constant 0 : i32
        %dma_start3A_60 = tpu.memref_slice %arg7[%add3A_56, %dma_start3A_59] : memref<88x128xi32, #tpu.memory_space<vmem>> -> memref<1x128xi32, #tpu.memory_space<vmem>>
        %dma_start3A_61 = tpu.memref_squeeze %dma_start3A_60 : memref<1x128xi32, #tpu.memory_space<vmem>> -> memref<128xi32, #tpu.memory_space<vmem>>
        %dma_start3A_62 = arith.constant 0 : i32
        %dma_start3A_63 = arith.constant 0 : i32
        %dma_start3A_64 = tpu.memref_slice %arg2[%dma_start3A_62, %dma_start3A_63] : memref<1419264x128xf32, #tpu.memory_space<hbm>> -> memref<1419264x128xf32, #tpu.memory_space<hbm>>
        tpu.enqueue_indirect_dma source(%dma_start3A_64 : memref<1419264x128xf32, #tpu.memory_space<hbm>>) target(%dma_start3A_58 : memref<128x128xf32, #tpu.memory_space<vmem>>) offsets(%dma_start3A_61 : memref<128xi32, #tpu.memory_space<vmem>>) semaphore(%arg10 : memref<!tpu.dma_semaphore, #tpu.memory_space<semaphore_mem>>) {add = true}
      }
      %scan3A_44 = arith.constant 13 : i32
      %scan3A_45 = arith.constant 0 : i32
      %scan3A_46 = arith.constant 0 : i32
      %scan3A_47 = arith.constant 27 : i32
      %scan3A_48 = arith.addi %scan3A_46, %scan3A_47 : i32
      %scan3A_49 = arith.constant 1 : i32
      scf.for %scan3A_51 = %scan3A_46 to %scan3A_48 step %scan3A_49  : i32 {
        %dma_wait3A = arith.constant 0 : i32
        %dma_wait3A_52 = arith.constant 0 : i32
        %dma_wait3A_53 = arith.constant 0 : i32
        %dma_wait3A_54 = tpu.memref_slice %arg8[%dma_wait3A_52, %dma_wait3A_53] : memref<384x128xf32, #tpu.memory_space<vmem>> -> memref<128x128xf32, #tpu.memory_space<vmem>>
        %dma_wait3A_55 = arith.constant 0 : i32
        %dma_wait3A_56 = tpu.memref_slice %arg7[%dma_wait3A, %dma_wait3A_55] : memref<88x128xi32, #tpu.memory_space<vmem>> -> memref<1x128xi32, #tpu.memory_space<vmem>>
        %dma_wait3A_57 = tpu.memref_squeeze %dma_wait3A_56 : memref<1x128xi32, #tpu.memory_space<vmem>> -> memref<128xi32, #tpu.memory_space<vmem>>
        %dma_wait3A_58 = arith.constant 0 : i32
        %dma_wait3A_59 = arith.constant 0 : i32
        %dma_wait3A_60 = tpu.memref_slice %arg2[%dma_wait3A_58, %dma_wait3A_59] : memref<1419264x128xf32, #tpu.memory_space<hbm>> -> memref<1419264x128xf32, #tpu.memory_space<hbm>>
        tpu.wait_indirect_dma semaphore(%arg10 : memref<!tpu.dma_semaphore, #tpu.memory_space<semaphore_mem>>) src(%dma_wait3A_60 : memref<1419264x128xf32, #tpu.memory_space<hbm>>) dst(%dma_wait3A_54 : memref<128x128xf32, #tpu.memory_space<vmem>>)
      }
      %scan3A_50 = arith.constant 27 : i32
      "tpu.region"() ({
        %run_scoped3A = tpu.sem_alloc : memref<!tpu.dma_semaphore, #tpu.memory_space<semaphore_mem>>
        %dma_start3A = arith.constant 0 : i32
        %dma_start3A_51 = arith.constant 0 : i32
        %dma_start3A_52 = tpu.memref_slice %arg8[%dma_start3A, %dma_start3A_51] : memref<384x128xf32, #tpu.memory_space<vmem>> -> memref<128x128xf32, #tpu.memory_space<vmem>>
        %dma_start3A_53 = arith.constant 0 : i32
        %dma_start3A_54 = tpu.memref_slice %arg5[%add3A_32, %dma_start3A_53] : memref<101376x128xf32, #tpu.memory_space<hbm>> -> memref<128x128xf32, #tpu.memory_space<hbm>>
        %dma_start3A_55 = arith.constant 0 : i32
        %dma_start3A_56 = tpu.memref_slice %arg5[%add3A_32, %dma_start3A_55] : memref<101376x128xf32, #tpu.memory_space<hbm>> -> memref<128x128xf32, #tpu.memory_space<hbm>>
        %dma_start3A_57 = arith.constant 0 : i32
        %dma_start3A_58 = arith.constant 0 : i32
        %dma_start3A_59 = tpu.memref_slice %arg8[%dma_start3A_57, %dma_start3A_58] : memref<384x128xf32, #tpu.memory_space<vmem>> -> memref<128x128xf32, #tpu.memory_space<vmem>>
        tpu.enqueue_dma source(%dma_start3A_59 : memref<128x128xf32, #tpu.memory_space<vmem>>) target(%dma_start3A_56 : memref<128x128xf32, #tpu.memory_space<hbm>>) target_semaphore(%run_scoped3A : memref<!tpu.dma_semaphore, #tpu.memory_space<semaphore_mem>>)
        %dma_wait3A = arith.constant 0 : i32
        %dma_wait3A_60 = arith.constant 0 : i32
        %dma_wait3A_61 = tpu.memref_slice %arg8[%dma_wait3A, %dma_wait3A_60] : memref<384x128xf32, #tpu.memory_space<vmem>> -> memref<128x128xf32, #tpu.memory_space<vmem>>
        %dma_wait3A_62 = arith.constant 0 : i32
        %dma_wait3A_63 = tpu.memref_slice %arg5[%add3A_32, %dma_wait3A_62] : memref<101376x128xf32, #tpu.memory_space<hbm>> -> memref<128x128xf32, #tpu.memory_space<hbm>>
        %dma_wait3A_64 = arith.constant 0 : i32
        %dma_wait3A_65 = tpu.memref_slice %arg5[%add3A_32, %dma_wait3A_64] : memref<101376x128xf32, #tpu.memory_space<hbm>> -> memref<128x128xf32, #tpu.memory_space<hbm>>
        %dma_wait3A_66 = arith.constant 0 : i32
        %dma_wait3A_67 = arith.constant 0 : i32
        %dma_wait3A_68 = tpu.memref_slice %arg8[%dma_wait3A_66, %dma_wait3A_67] : memref<384x128xf32, #tpu.memory_space<vmem>> -> memref<128x128xf32, #tpu.memory_space<vmem>>
        tpu.wait_dma2 semaphore(%run_scoped3A : memref<!tpu.dma_semaphore, #tpu.memory_space<semaphore_mem>>) src(%dma_wait3A_68 : memref<128x128xf32, #tpu.memory_space<vmem>>) dst(%dma_wait3A_65 : memref<128x128xf32, #tpu.memory_space<hbm>>)
        tpu.yield
      }) : () -> ()
      "tpu.region"() ({
        %run_scoped3A = tpu.sem_alloc : memref<!tpu.dma_semaphore, #tpu.memory_space<semaphore_mem>>
        %dma_start3A = arith.constant 0 : i32
        %dma_start3A_51 = arith.constant 0 : i32
        %dma_start3A_52 = tpu.memref_slice %arg9[%dma_start3A, %dma_start3A_51] : memref<384x128xf32, #tpu.memory_space<vmem>> -> memref<128x128xf32, #tpu.memory_space<vmem>>
        %dma_start3A_53 = arith.constant 0 : i32
        %dma_start3A_54 = tpu.memref_slice %arg6[%add3A_32, %dma_start3A_53] : memref<101376x128xf32, #tpu.memory_space<hbm>> -> memref<128x128xf32, #tpu.memory_space<hbm>>
        %dma_start3A_55 = arith.constant 0 : i32
        %dma_start3A_56 = tpu.memref_slice %arg6[%add3A_32, %dma_start3A_55] : memref<101376x128xf32, #tpu.memory_space<hbm>> -> memref<128x128xf32, #tpu.memory_space<hbm>>
        %dma_start3A_57 = arith.constant 0 : i32
        %dma_start3A_58 = arith.constant 0 : i32
        %dma_start3A_59 = tpu.memref_slice %arg9[%dma_start3A_57, %dma_start3A_58] : memref<384x128xf32, #tpu.memory_space<vmem>> -> memref<128x128xf32, #tpu.memory_space<vmem>>
        tpu.enqueue_dma source(%dma_start3A_59 : memref<128x128xf32, #tpu.memory_space<vmem>>) target(%dma_start3A_56 : memref<128x128xf32, #tpu.memory_space<hbm>>) target_semaphore(%run_scoped3A : memref<!tpu.dma_semaphore, #tpu.memory_space<semaphore_mem>>)
        %dma_wait3A = arith.constant 0 : i32
        %dma_wait3A_60 = arith.constant 0 : i32
        %dma_wait3A_61 = tpu.memref_slice %arg9[%dma_wait3A, %dma_wait3A_60] : memref<384x128xf32, #tpu.memory_space<vmem>> -> memref<128x128xf32, #tpu.memory_space<vmem>>
        %dma_wait3A_62 = arith.constant 0 : i32
        %dma_wait3A_63 = tpu.memref_slice %arg6[%add3A_32, %dma_wait3A_62] : memref<101376x128xf32, #tpu.memory_space<hbm>> -> memref<128x128xf32, #tpu.memory_space<hbm>>
        %dma_wait3A_64 = arith.constant 0 : i32
        %dma_wait3A_65 = tpu.memref_slice %arg6[%add3A_32, %dma_wait3A_64] : memref<101376x128xf32, #tpu.memory_space<hbm>> -> memref<128x128xf32, #tpu.memory_space<hbm>>
        %dma_wait3A_66 = arith.constant 0 : i32
        %dma_wait3A_67 = arith.constant 0 : i32
        %dma_wait3A_68 = tpu.memref_slice %arg9[%dma_wait3A_66, %dma_wait3A_67] : memref<384x128xf32, #tpu.memory_space<vmem>> -> memref<128x128xf32, #tpu.memory_space<vmem>>
        tpu.wait_dma2 semaphore(%run_scoped3A : memref<!tpu.dma_semaphore, #tpu.memory_space<semaphore_mem>>) src(%dma_wait3A_68 : memref<128x128xf32, #tpu.memory_space<vmem>>) dst(%dma_wait3A_65 : memref<128x128xf32, #tpu.memory_space<hbm>>)
        tpu.yield
      }) : () -> ()
    } else {
    }
    return
  }
}

#map = affine_map<(d0, d1) -> (0, 0)>
#map1 = affine_map<(d0, d1) -> (0, 0, 0)>
module attributes {stable_mosaic.version = 14 : i64} {
  func.func @conv(%arg0: i32, %arg1: i32, %arg2: memref<1419264x128xf32, #tpu.memory_space<hbm>>, %arg3: memref<264x88x128xi32, #tpu.memory_space<hbm>>, %arg4: memref<101376x128xf32, #tpu.memory_space<hbm>>, %arg5: memref<101376x128xf32, #tpu.memory_space<hbm>>, %arg6: memref<101376x128xf32, #tpu.memory_space<hbm>>, %arg7: memref<88x128xi32, #tpu.memory_space<vmem>>, %arg8: memref<384x128xf32, #tpu.memory_space<vmem>>, %arg9: memref<384x128xf32, #tpu.memory_space<vmem>>, %arg10: memref<!tpu.dma_semaphore, #tpu.memory_space<semaphore_mem>>) attributes {dimension_semantics = [#tpu.dimension_semantics<core_parallel>, #tpu.dimension_semantics<subcore_parallel>], iteration_bounds = array<i64: 2, 16>, scalar_prefetch = 0 : i64, scratch_operands = 4 : i64, tpu.core_type = #tpu.core_type<sc_vector_subcore>, window_params = [{transform_indices = #map}, {transform_indices = #map1}, {transform_indices = #map}, {transform_indices = #map}, {transform_indices = #map}]} {
    %mul3A = arith.constant 2 : i32
    %mul3A_0 = arith.muli %arg1, %mul3A : i32
    %add3A = arith.addi %mul3A_0, %arg0 : i32
    %scan3A = arith.constant 0 : i32
    %scan3A_1 = arith.constant 0 : i32
    %scan3A_2 = arith.constant 8 : i32
    %scan3A_3 = arith.addi %scan3A_1, %scan3A_2 : i32
    %scan3A_4 = arith.constant 1 : i32
    scf.for %scan3A_8 = %scan3A_1 to %scan3A_3 step %scan3A_4  : i32 {
      %mul3A_9 = arith.constant 32 : i32
      %mul3A_10 = arith.muli %scan3A_8, %mul3A_9 : i32
      %add3A_11 = arith.addi %add3A, %mul3A_10 : i32
      %mul3A_12 = arith.constant 384 : i32
      %mul3A_13 = arith.muli %add3A_11, %mul3A_12 : i32
      "tpu.region"() ({
        %run_scoped3A = tpu.sem_alloc : memref<!tpu.dma_semaphore, #tpu.memory_space<semaphore_mem>>
        %dma_start3A = arith.constant 0 : i32
        %dma_start3A_32 = arith.constant 0 : i32
        %dma_start3A_33 = tpu.memref_slice %arg3[%add3A_11, %dma_start3A, %dma_start3A_32] : memref<264x88x128xi32, #tpu.memory_space<hbm>> -> memref<1x88x128xi32, #tpu.memory_space<hbm>>
        %dma_start3A_34 = tpu.memref_squeeze %dma_start3A_33 : memref<1x88x128xi32, #tpu.memory_space<hbm>> -> memref<88x128xi32, #tpu.memory_space<hbm>>
        %dma_start3A_35 = arith.constant 0 : i32
        %dma_start3A_36 = arith.constant 0 : i32
        %dma_start3A_37 = tpu.memref_slice %arg3[%add3A_11, %dma_start3A_35, %dma_start3A_36] : memref<264x88x128xi32, #tpu.memory_space<hbm>> -> memref<1x88x128xi32, #tpu.memory_space<hbm>>
        %dma_start3A_38 = tpu.memref_squeeze %dma_start3A_37 : memref<1x88x128xi32, #tpu.memory_space<hbm>> -> memref<88x128xi32, #tpu.memory_space<hbm>>
        tpu.enqueue_dma source(%dma_start3A_38 : memref<88x128xi32, #tpu.memory_space<hbm>>) target(%arg7 : memref<88x128xi32, #tpu.memory_space<vmem>>) target_semaphore(%run_scoped3A : memref<!tpu.dma_semaphore, #tpu.memory_space<semaphore_mem>>)
        %dma_wait3A = arith.constant 0 : i32
        %dma_wait3A_39 = arith.constant 0 : i32
        %dma_wait3A_40 = tpu.memref_slice %arg3[%add3A_11, %dma_wait3A, %dma_wait3A_39] : memref<264x88x128xi32, #tpu.memory_space<hbm>> -> memref<1x88x128xi32, #tpu.memory_space<hbm>>
        %dma_wait3A_41 = tpu.memref_squeeze %dma_wait3A_40 : memref<1x88x128xi32, #tpu.memory_space<hbm>> -> memref<88x128xi32, #tpu.memory_space<hbm>>
        %dma_wait3A_42 = arith.constant 0 : i32
        %dma_wait3A_43 = arith.constant 0 : i32
        %dma_wait3A_44 = tpu.memref_slice %arg3[%add3A_11, %dma_wait3A_42, %dma_wait3A_43] : memref<264x88x128xi32, #tpu.memory_space<hbm>> -> memref<1x88x128xi32, #tpu.memory_space<hbm>>
        %dma_wait3A_45 = tpu.memref_squeeze %dma_wait3A_44 : memref<1x88x128xi32, #tpu.memory_space<hbm>> -> memref<88x128xi32, #tpu.memory_space<hbm>>
        tpu.wait_dma2 semaphore(%run_scoped3A : memref<!tpu.dma_semaphore, #tpu.memory_space<semaphore_mem>>) src(%dma_wait3A_45 : memref<88x128xi32, #tpu.memory_space<hbm>>) dst(%arg7 : memref<88x128xi32, #tpu.memory_space<vmem>>)
        tpu.yield
      }) : () -> ()
      "tpu.region"() ({
        %run_scoped3A = tpu.sem_alloc : memref<!tpu.dma_semaphore, #tpu.memory_space<semaphore_mem>>
        %dma_start3A = arith.constant 0 : i32
        %dma_start3A_32 = tpu.memref_slice %arg4[%mul3A_13, %dma_start3A] : memref<101376x128xf32, #tpu.memory_space<hbm>> -> memref<384x128xf32, #tpu.memory_space<hbm>>
        %dma_start3A_33 = arith.constant 0 : i32
        %dma_start3A_34 = tpu.memref_slice %arg4[%mul3A_13, %dma_start3A_33] : memref<101376x128xf32, #tpu.memory_space<hbm>> -> memref<384x128xf32, #tpu.memory_space<hbm>>
        tpu.enqueue_dma source(%dma_start3A_34 : memref<384x128xf32, #tpu.memory_space<hbm>>) target(%arg8 : memref<384x128xf32, #tpu.memory_space<vmem>>) target_semaphore(%run_scoped3A : memref<!tpu.dma_semaphore, #tpu.memory_space<semaphore_mem>>)
        %dma_wait3A = arith.constant 0 : i32
        %dma_wait3A_35 = tpu.memref_slice %arg4[%mul3A_13, %dma_wait3A] : memref<101376x128xf32, #tpu.memory_space<hbm>> -> memref<384x128xf32, #tpu.memory_space<hbm>>
        %dma_wait3A_36 = arith.constant 0 : i32
        %dma_wait3A_37 = tpu.memref_slice %arg4[%mul3A_13, %dma_wait3A_36] : memref<101376x128xf32, #tpu.memory_space<hbm>> -> memref<384x128xf32, #tpu.memory_space<hbm>>
        tpu.wait_dma2 semaphore(%run_scoped3A : memref<!tpu.dma_semaphore, #tpu.memory_space<semaphore_mem>>) src(%dma_wait3A_37 : memref<384x128xf32, #tpu.memory_space<hbm>>) dst(%arg8 : memref<384x128xf32, #tpu.memory_space<vmem>>)
        tpu.yield
      }) : () -> ()
      "tpu.region"() ({
        %run_scoped3A = tpu.sem_alloc : memref<!tpu.dma_semaphore, #tpu.memory_space<semaphore_mem>>
        %dma_start3A = arith.constant 0 : i32
        %dma_start3A_32 = tpu.memref_slice %arg4[%mul3A_13, %dma_start3A] : memref<101376x128xf32, #tpu.memory_space<hbm>> -> memref<384x128xf32, #tpu.memory_space<hbm>>
        %dma_start3A_33 = arith.constant 0 : i32
        %dma_start3A_34 = tpu.memref_slice %arg4[%mul3A_13, %dma_start3A_33] : memref<101376x128xf32, #tpu.memory_space<hbm>> -> memref<384x128xf32, #tpu.memory_space<hbm>>
        tpu.enqueue_dma source(%dma_start3A_34 : memref<384x128xf32, #tpu.memory_space<hbm>>) target(%arg9 : memref<384x128xf32, #tpu.memory_space<vmem>>) target_semaphore(%run_scoped3A : memref<!tpu.dma_semaphore, #tpu.memory_space<semaphore_mem>>)
        %dma_wait3A = arith.constant 0 : i32
        %dma_wait3A_35 = tpu.memref_slice %arg4[%mul3A_13, %dma_wait3A] : memref<101376x128xf32, #tpu.memory_space<hbm>> -> memref<384x128xf32, #tpu.memory_space<hbm>>
        %dma_wait3A_36 = arith.constant 0 : i32
        %dma_wait3A_37 = tpu.memref_slice %arg4[%mul3A_13, %dma_wait3A_36] : memref<101376x128xf32, #tpu.memory_space<hbm>> -> memref<384x128xf32, #tpu.memory_space<hbm>>
        tpu.wait_dma2 semaphore(%run_scoped3A : memref<!tpu.dma_semaphore, #tpu.memory_space<semaphore_mem>>) src(%dma_wait3A_37 : memref<384x128xf32, #tpu.memory_space<hbm>>) dst(%arg9 : memref<384x128xf32, #tpu.memory_space<vmem>>)
        tpu.yield
      }) : () -> ()
      %scan3A_14 = arith.constant 0 : i32
      %scan3A_15 = arith.constant 0 : i32
      %scan3A_16 = arith.constant 42 : i32
      %scan3A_17 = arith.addi %scan3A_15, %scan3A_16 : i32
      %scan3A_18 = arith.constant 1 : i32
      scf.for %scan3A_32 = %scan3A_15 to %scan3A_17 step %scan3A_18  : i32 {
        %rem3A = arith.constant 3 : i32
        %rem3A_33 = arith.remsi %scan3A_32, %rem3A : i32
        %jit3A = arith.constant 3 : i32
        %div3A = arith.divsi %scan3A_32, %jit3A : i32
        %sign3A = arith.constant 0 : i32
        %sign3A_34 = arith.cmpi sgt, %scan3A_32, %sign3A : i32
        %sign3A_35 = arith.extui %sign3A_34 : i1 to i32
        %sign3A_36 = arith.constant 0 : i32
        %sign3A_37 = arith.cmpi slt, %scan3A_32, %sign3A_36 : i32
        %sign3A_38 = arith.extui %sign3A_37 : i1 to i32
        %sign3A_39 = arith.subi %sign3A_35, %sign3A_38 : i32
        %sign3A_40 = arith.constant 0 : i32
        %sign3A_41 = arith.cmpi sgt, %jit3A, %sign3A_40 : i32
        %sign3A_42 = arith.extui %sign3A_41 : i1 to i32
        %sign3A_43 = arith.constant 0 : i32
        %sign3A_44 = arith.cmpi slt, %jit3A, %sign3A_43 : i32
        %sign3A_45 = arith.extui %sign3A_44 : i1 to i32
        %sign3A_46 = arith.subi %sign3A_42, %sign3A_45 : i32
        %ne3A = arith.cmpi ne, %sign3A_39, %sign3A_46 : i32
        %rem3A_47 = arith.remsi %scan3A_32, %jit3A : i32
        %ne3A_48 = arith.constant 0 : i32
        %ne3A_49 = arith.cmpi ne, %rem3A_47, %ne3A_48 : i32
        %and3A = arith.andi %ne3A, %ne3A_49 : i1
        %sub3A = arith.constant 1 : i32
        %sub3A_50 = arith.subi %div3A, %sub3A : i32
        %select_n3A = arith.select %and3A, %sub3A_50, %div3A : i32
        %mul3A_51 = arith.constant 6 : i32
        %mul3A_52 = arith.muli %select_n3A, %mul3A_51 : i32
        %add3A_53 = arith.addi %mul3A_52, %rem3A_33 : i32
        %mul3A_54 = arith.constant 128 : i32
        %mul3A_55 = arith.muli %rem3A_33, %mul3A_54 : i32
        %dma_start3A = arith.constant 0 : i32
        %dma_start3A_56 = tpu.memref_slice %arg8[%mul3A_55, %dma_start3A] : memref<384x128xf32, #tpu.memory_space<vmem>> -> memref<128x128xf32, #tpu.memory_space<vmem>>
        %dma_start3A_57 = arith.constant 0 : i32
        %dma_start3A_58 = tpu.memref_slice %arg7[%add3A_53, %dma_start3A_57] : memref<88x128xi32, #tpu.memory_space<vmem>> -> memref<1x128xi32, #tpu.memory_space<vmem>>
        %dma_start3A_59 = tpu.memref_squeeze %dma_start3A_58 : memref<1x128xi32, #tpu.memory_space<vmem>> -> memref<128xi32, #tpu.memory_space<vmem>>
        %dma_start3A_60 = arith.constant 0 : i32
        %dma_start3A_61 = arith.constant 0 : i32
        %dma_start3A_62 = tpu.memref_slice %arg2[%dma_start3A_60, %dma_start3A_61] : memref<1419264x128xf32, #tpu.memory_space<hbm>> -> memref<1419264x128xf32, #tpu.memory_space<hbm>>
        tpu.enqueue_indirect_dma source(%dma_start3A_62 : memref<1419264x128xf32, #tpu.memory_space<hbm>>) target(%dma_start3A_56 : memref<128x128xf32, #tpu.memory_space<vmem>>) offsets(%dma_start3A_59 : memref<128xi32, #tpu.memory_space<vmem>>) semaphore(%arg10 : memref<!tpu.dma_semaphore, #tpu.memory_space<semaphore_mem>>) {add = true}
      }
      %scan3A_19 = arith.constant 42 : i32
      %scan3A_20 = arith.constant 0 : i32
      %scan3A_21 = arith.constant 0 : i32
      %scan3A_22 = arith.constant 39 : i32
      %scan3A_23 = arith.addi %scan3A_21, %scan3A_22 : i32
      %scan3A_24 = arith.constant 1 : i32
      scf.for %scan3A_32 = %scan3A_21 to %scan3A_23 step %scan3A_24  : i32 {
        %rem3A = arith.constant 3 : i32
        %rem3A_33 = arith.remsi %scan3A_32, %rem3A : i32
        %jit3A = arith.constant 3 : i32
        %div3A = arith.divsi %scan3A_32, %jit3A : i32
        %sign3A = arith.constant 0 : i32
        %sign3A_34 = arith.cmpi sgt, %scan3A_32, %sign3A : i32
        %sign3A_35 = arith.extui %sign3A_34 : i1 to i32
        %sign3A_36 = arith.constant 0 : i32
        %sign3A_37 = arith.cmpi slt, %scan3A_32, %sign3A_36 : i32
        %sign3A_38 = arith.extui %sign3A_37 : i1 to i32
        %sign3A_39 = arith.subi %sign3A_35, %sign3A_38 : i32
        %sign3A_40 = arith.constant 0 : i32
        %sign3A_41 = arith.cmpi sgt, %jit3A, %sign3A_40 : i32
        %sign3A_42 = arith.extui %sign3A_41 : i1 to i32
        %sign3A_43 = arith.constant 0 : i32
        %sign3A_44 = arith.cmpi slt, %jit3A, %sign3A_43 : i32
        %sign3A_45 = arith.extui %sign3A_44 : i1 to i32
        %sign3A_46 = arith.subi %sign3A_42, %sign3A_45 : i32
        %ne3A = arith.cmpi ne, %sign3A_39, %sign3A_46 : i32
        %rem3A_47 = arith.remsi %scan3A_32, %jit3A : i32
        %ne3A_48 = arith.constant 0 : i32
        %ne3A_49 = arith.cmpi ne, %rem3A_47, %ne3A_48 : i32
        %and3A = arith.andi %ne3A, %ne3A_49 : i1
        %sub3A = arith.constant 1 : i32
        %sub3A_50 = arith.subi %div3A, %sub3A : i32
        %select_n3A = arith.select %and3A, %sub3A_50, %div3A : i32
        %mul3A_51 = arith.constant 6 : i32
        %mul3A_52 = arith.muli %select_n3A, %mul3A_51 : i32
        %add3A_53 = arith.constant 3 : i32
        %add3A_54 = arith.addi %mul3A_52, %add3A_53 : i32
        %add3A_55 = arith.addi %add3A_54, %rem3A_33 : i32
        %mul3A_56 = arith.constant 128 : i32
        %mul3A_57 = arith.muli %rem3A_33, %mul3A_56 : i32
        %dma_start3A = arith.constant 0 : i32
        %dma_start3A_58 = tpu.memref_slice %arg9[%mul3A_57, %dma_start3A] : memref<384x128xf32, #tpu.memory_space<vmem>> -> memref<128x128xf32, #tpu.memory_space<vmem>>
        %dma_start3A_59 = arith.constant 0 : i32
        %dma_start3A_60 = tpu.memref_slice %arg7[%add3A_55, %dma_start3A_59] : memref<88x128xi32, #tpu.memory_space<vmem>> -> memref<1x128xi32, #tpu.memory_space<vmem>>
        %dma_start3A_61 = tpu.memref_squeeze %dma_start3A_60 : memref<1x128xi32, #tpu.memory_space<vmem>> -> memref<128xi32, #tpu.memory_space<vmem>>
        %dma_start3A_62 = arith.constant 0 : i32
        %dma_start3A_63 = arith.constant 0 : i32
        %dma_start3A_64 = tpu.memref_slice %arg2[%dma_start3A_62, %dma_start3A_63] : memref<1419264x128xf32, #tpu.memory_space<hbm>> -> memref<1419264x128xf32, #tpu.memory_space<hbm>>
        tpu.enqueue_indirect_dma source(%dma_start3A_64 : memref<1419264x128xf32, #tpu.memory_space<hbm>>) target(%dma_start3A_58 : memref<128x128xf32, #tpu.memory_space<vmem>>) offsets(%dma_start3A_61 : memref<128xi32, #tpu.memory_space<vmem>>) semaphore(%arg10 : memref<!tpu.dma_semaphore, #tpu.memory_space<semaphore_mem>>) {add = true}
      }
      %scan3A_25 = arith.constant 39 : i32
      %scan3A_26 = arith.constant 0 : i32
      %scan3A_27 = arith.constant 0 : i32
      %scan3A_28 = arith.constant 81 : i32
      %scan3A_29 = arith.addi %scan3A_27, %scan3A_28 : i32
      %scan3A_30 = arith.constant 1 : i32
      scf.for %scan3A_32 = %scan3A_27 to %scan3A_29 step %scan3A_30  : i32 {
        %dma_wait3A = arith.constant 0 : i32
        %dma_wait3A_33 = arith.constant 0 : i32
        %dma_wait3A_34 = arith.constant 0 : i32
        %dma_wait3A_35 = tpu.memref_slice %arg8[%dma_wait3A_33, %dma_wait3A_34] : memref<384x128xf32, #tpu.memory_space<vmem>> -> memref<128x128xf32, #tpu.memory_space<vmem>>
        %dma_wait3A_36 = arith.constant 0 : i32
        %dma_wait3A_37 = tpu.memref_slice %arg7[%dma_wait3A, %dma_wait3A_36] : memref<88x128xi32, #tpu.memory_space<vmem>> -> memref<1x128xi32, #tpu.memory_space<vmem>>
        %dma_wait3A_38 = tpu.memref_squeeze %dma_wait3A_37 : memref<1x128xi32, #tpu.memory_space<vmem>> -> memref<128xi32, #tpu.memory_space<vmem>>
        %dma_wait3A_39 = arith.constant 0 : i32
        %dma_wait3A_40 = arith.constant 0 : i32
        %dma_wait3A_41 = tpu.memref_slice %arg2[%dma_wait3A_39, %dma_wait3A_40] : memref<1419264x128xf32, #tpu.memory_space<hbm>> -> memref<1419264x128xf32, #tpu.memory_space<hbm>>
        tpu.wait_indirect_dma semaphore(%arg10 : memref<!tpu.dma_semaphore, #tpu.memory_space<semaphore_mem>>) src(%dma_wait3A_41 : memref<1419264x128xf32, #tpu.memory_space<hbm>>) dst(%dma_wait3A_35 : memref<128x128xf32, #tpu.memory_space<vmem>>)
      }
      %scan3A_31 = arith.constant 81 : i32
      "tpu.region"() ({
        %run_scoped3A = tpu.sem_alloc : memref<!tpu.dma_semaphore, #tpu.memory_space<semaphore_mem>>
        %dma_start3A = arith.constant 0 : i32
        %dma_start3A_32 = tpu.memref_slice %arg5[%mul3A_13, %dma_start3A] : memref<101376x128xf32, #tpu.memory_space<hbm>> -> memref<384x128xf32, #tpu.memory_space<hbm>>
        %dma_start3A_33 = arith.constant 0 : i32
        %dma_start3A_34 = tpu.memref_slice %arg5[%mul3A_13, %dma_start3A_33] : memref<101376x128xf32, #tpu.memory_space<hbm>> -> memref<384x128xf32, #tpu.memory_space<hbm>>
        tpu.enqueue_dma source(%arg8 : memref<384x128xf32, #tpu.memory_space<vmem>>) target(%dma_start3A_34 : memref<384x128xf32, #tpu.memory_space<hbm>>) target_semaphore(%run_scoped3A : memref<!tpu.dma_semaphore, #tpu.memory_space<semaphore_mem>>)
        %dma_wait3A = arith.constant 0 : i32
        %dma_wait3A_35 = tpu.memref_slice %arg5[%mul3A_13, %dma_wait3A] : memref<101376x128xf32, #tpu.memory_space<hbm>> -> memref<384x128xf32, #tpu.memory_space<hbm>>
        %dma_wait3A_36 = arith.constant 0 : i32
        %dma_wait3A_37 = tpu.memref_slice %arg5[%mul3A_13, %dma_wait3A_36] : memref<101376x128xf32, #tpu.memory_space<hbm>> -> memref<384x128xf32, #tpu.memory_space<hbm>>
        tpu.wait_dma2 semaphore(%run_scoped3A : memref<!tpu.dma_semaphore, #tpu.memory_space<semaphore_mem>>) src(%arg8 : memref<384x128xf32, #tpu.memory_space<vmem>>) dst(%dma_wait3A_37 : memref<384x128xf32, #tpu.memory_space<hbm>>)
        tpu.yield
      }) : () -> ()
      "tpu.region"() ({
        %run_scoped3A = tpu.sem_alloc : memref<!tpu.dma_semaphore, #tpu.memory_space<semaphore_mem>>
        %dma_start3A = arith.constant 0 : i32
        %dma_start3A_32 = tpu.memref_slice %arg6[%mul3A_13, %dma_start3A] : memref<101376x128xf32, #tpu.memory_space<hbm>> -> memref<384x128xf32, #tpu.memory_space<hbm>>
        %dma_start3A_33 = arith.constant 0 : i32
        %dma_start3A_34 = tpu.memref_slice %arg6[%mul3A_13, %dma_start3A_33] : memref<101376x128xf32, #tpu.memory_space<hbm>> -> memref<384x128xf32, #tpu.memory_space<hbm>>
        tpu.enqueue_dma source(%arg9 : memref<384x128xf32, #tpu.memory_space<vmem>>) target(%dma_start3A_34 : memref<384x128xf32, #tpu.memory_space<hbm>>) target_semaphore(%run_scoped3A : memref<!tpu.dma_semaphore, #tpu.memory_space<semaphore_mem>>)
        %dma_wait3A = arith.constant 0 : i32
        %dma_wait3A_35 = tpu.memref_slice %arg6[%mul3A_13, %dma_wait3A] : memref<101376x128xf32, #tpu.memory_space<hbm>> -> memref<384x128xf32, #tpu.memory_space<hbm>>
        %dma_wait3A_36 = arith.constant 0 : i32
        %dma_wait3A_37 = tpu.memref_slice %arg6[%mul3A_13, %dma_wait3A_36] : memref<101376x128xf32, #tpu.memory_space<hbm>> -> memref<384x128xf32, #tpu.memory_space<hbm>>
        tpu.wait_dma2 semaphore(%run_scoped3A : memref<!tpu.dma_semaphore, #tpu.memory_space<semaphore_mem>>) src(%arg9 : memref<384x128xf32, #tpu.memory_space<vmem>>) dst(%dma_wait3A_37 : memref<384x128xf32, #tpu.memory_space<hbm>>)
        tpu.yield
      }) : () -> ()
    }
    %scan3A_5 = arith.constant 8 : i32
    %lt3A = arith.constant 24 : i32
    %lt3A_6 = arith.cmpi slt, %add3A, %lt3A : i32
    %convert_element_type3A = arith.extui %lt3A_6 : i1 to i32
    %cond3A = arith.constant 0 : i32
    %cond3A_7 = arith.cmpi ne, %convert_element_type3A, %cond3A : i32
    scf.if %cond3A_7 {
      %jit3A = arith.constant 3 : i32
      %div3A = arith.divsi %add3A, %jit3A : i32
      %sign3A = arith.constant 0 : i32
      %sign3A_8 = arith.cmpi sgt, %add3A, %sign3A : i32
      %sign3A_9 = arith.extui %sign3A_8 : i1 to i32
      %sign3A_10 = arith.constant 0 : i32
      %sign3A_11 = arith.cmpi slt, %add3A, %sign3A_10 : i32
      %sign3A_12 = arith.extui %sign3A_11 : i1 to i32
      %sign3A_13 = arith.subi %sign3A_9, %sign3A_12 : i32
      %sign3A_14 = arith.constant 0 : i32
      %sign3A_15 = arith.cmpi sgt, %jit3A, %sign3A_14 : i32
      %sign3A_16 = arith.extui %sign3A_15 : i1 to i32
      %sign3A_17 = arith.constant 0 : i32
      %sign3A_18 = arith.cmpi slt, %jit3A, %sign3A_17 : i32
      %sign3A_19 = arith.extui %sign3A_18 : i1 to i32
      %sign3A_20 = arith.subi %sign3A_16, %sign3A_19 : i32
      %ne3A = arith.cmpi ne, %sign3A_13, %sign3A_20 : i32
      %rem3A = arith.remsi %add3A, %jit3A : i32
      %ne3A_21 = arith.constant 0 : i32
      %ne3A_22 = arith.cmpi ne, %rem3A, %ne3A_21 : i32
      %and3A = arith.andi %ne3A, %ne3A_22 : i1
      %sub3A = arith.constant 1 : i32
      %sub3A_23 = arith.subi %div3A, %sub3A : i32
      %select_n3A = arith.select %and3A, %sub3A_23, %div3A : i32
      %add3A_24 = arith.constant 256 : i32
      %add3A_25 = arith.addi %add3A_24, %select_n3A : i32
      %rem3A_26 = arith.constant 3 : i32
      %rem3A_27 = arith.remsi %add3A, %rem3A_26 : i32
      %mul3A_28 = arith.constant 384 : i32
      %mul3A_29 = arith.muli %add3A_25, %mul3A_28 : i32
      %mul3A_30 = arith.constant 128 : i32
      %mul3A_31 = arith.muli %rem3A_27, %mul3A_30 : i32
      %add3A_32 = arith.addi %mul3A_29, %mul3A_31 : i32
      "tpu.region"() ({
        %run_scoped3A = tpu.sem_alloc : memref<!tpu.dma_semaphore, #tpu.memory_space<semaphore_mem>>
        %dma_start3A = arith.constant 0 : i32
        %dma_start3A_51 = arith.constant 0 : i32
        %dma_start3A_52 = tpu.memref_slice %arg3[%add3A_25, %dma_start3A, %dma_start3A_51] : memref<264x88x128xi32, #tpu.memory_space<hbm>> -> memref<1x88x128xi32, #tpu.memory_space<hbm>>
        %dma_start3A_53 = tpu.memref_squeeze %dma_start3A_52 : memref<1x88x128xi32, #tpu.memory_space<hbm>> -> memref<88x128xi32, #tpu.memory_space<hbm>>
        %dma_start3A_54 = arith.constant 0 : i32
        %dma_start3A_55 = arith.constant 0 : i32
        %dma_start3A_56 = tpu.memref_slice %arg3[%add3A_25, %dma_start3A_54, %dma_start3A_55] : memref<264x88x128xi32, #tpu.memory_space<hbm>> -> memref<1x88x128xi32, #tpu.memory_space<hbm>>
        %dma_start3A_57 = tpu.memref_squeeze %dma_start3A_56 : memref<1x88x128xi32, #tpu.memory_space<hbm>> -> memref<88x128xi32, #tpu.memory_space<hbm>>
        tpu.enqueue_dma source(%dma_start3A_57 : memref<88x128xi32, #tpu.memory_space<hbm>>) target(%arg7 : memref<88x128xi32, #tpu.memory_space<vmem>>) target_semaphore(%run_scoped3A : memref<!tpu.dma_semaphore, #tpu.memory_space<semaphore_mem>>)
        %dma_wait3A = arith.constant 0 : i32
        %dma_wait3A_58 = arith.constant 0 : i32
        %dma_wait3A_59 = tpu.memref_slice %arg3[%add3A_25, %dma_wait3A, %dma_wait3A_58] : memref<264x88x128xi32, #tpu.memory_space<hbm>> -> memref<1x88x128xi32, #tpu.memory_space<hbm>>
        %dma_wait3A_60 = tpu.memref_squeeze %dma_wait3A_59 : memref<1x88x128xi32, #tpu.memory_space<hbm>> -> memref<88x128xi32, #tpu.memory_space<hbm>>
        %dma_wait3A_61 = arith.constant 0 : i32
        %dma_wait3A_62 = arith.constant 0 : i32
        %dma_wait3A_63 = tpu.memref_slice %arg3[%add3A_25, %dma_wait3A_61, %dma_wait3A_62] : memref<264x88x128xi32, #tpu.memory_space<hbm>> -> memref<1x88x128xi32, #tpu.memory_space<hbm>>
        %dma_wait3A_64 = tpu.memref_squeeze %dma_wait3A_63 : memref<1x88x128xi32, #tpu.memory_space<hbm>> -> memref<88x128xi32, #tpu.memory_space<hbm>>
        tpu.wait_dma2 semaphore(%run_scoped3A : memref<!tpu.dma_semaphore, #tpu.memory_space<semaphore_mem>>) src(%dma_wait3A_64 : memref<88x128xi32, #tpu.memory_space<hbm>>) dst(%arg7 : memref<88x128xi32, #tpu.memory_space<vmem>>)
        tpu.yield
      }) : () -> ()
      "tpu.region"() ({
        %run_scoped3A = tpu.sem_alloc : memref<!tpu.dma_semaphore, #tpu.memory_space<semaphore_mem>>
        %dma_start3A = arith.constant 0 : i32
        %dma_start3A_51 = arith.constant 0 : i32
        %dma_start3A_52 = tpu.memref_slice %arg8[%dma_start3A, %dma_start3A_51] : memref<384x128xf32, #tpu.memory_space<vmem>> -> memref<128x128xf32, #tpu.memory_space<vmem>>
        %dma_start3A_53 = arith.constant 0 : i32
        %dma_start3A_54 = tpu.memref_slice %arg4[%add3A_32, %dma_start3A_53] : memref<101376x128xf32, #tpu.memory_space<hbm>> -> memref<128x128xf32, #tpu.memory_space<hbm>>
        %dma_start3A_55 = arith.constant 0 : i32
        %dma_start3A_56 = arith.constant 0 : i32
        %dma_start3A_57 = tpu.memref_slice %arg8[%dma_start3A_55, %dma_start3A_56] : memref<384x128xf32, #tpu.memory_space<vmem>> -> memref<128x128xf32, #tpu.memory_space<vmem>>
        %dma_start3A_58 = arith.constant 0 : i32
        %dma_start3A_59 = tpu.memref_slice %arg4[%add3A_32, %dma_start3A_58] : memref<101376x128xf32, #tpu.memory_space<hbm>> -> memref<128x128xf32, #tpu.memory_space<hbm>>
        tpu.enqueue_dma source(%dma_start3A_59 : memref<128x128xf32, #tpu.memory_space<hbm>>) target(%dma_start3A_57 : memref<128x128xf32, #tpu.memory_space<vmem>>) target_semaphore(%run_scoped3A : memref<!tpu.dma_semaphore, #tpu.memory_space<semaphore_mem>>)
        %dma_wait3A = arith.constant 0 : i32
        %dma_wait3A_60 = arith.constant 0 : i32
        %dma_wait3A_61 = tpu.memref_slice %arg8[%dma_wait3A, %dma_wait3A_60] : memref<384x128xf32, #tpu.memory_space<vmem>> -> memref<128x128xf32, #tpu.memory_space<vmem>>
        %dma_wait3A_62 = arith.constant 0 : i32
        %dma_wait3A_63 = tpu.memref_slice %arg4[%add3A_32, %dma_wait3A_62] : memref<101376x128xf32, #tpu.memory_space<hbm>> -> memref<128x128xf32, #tpu.memory_space<hbm>>
        %dma_wait3A_64 = arith.constant 0 : i32
        %dma_wait3A_65 = arith.constant 0 : i32
        %dma_wait3A_66 = tpu.memref_slice %arg8[%dma_wait3A_64, %dma_wait3A_65] : memref<384x128xf32, #tpu.memory_space<vmem>> -> memref<128x128xf32, #tpu.memory_space<vmem>>
        %dma_wait3A_67 = arith.constant 0 : i32
        %dma_wait3A_68 = tpu.memref_slice %arg4[%add3A_32, %dma_wait3A_67] : memref<101376x128xf32, #tpu.memory_space<hbm>> -> memref<128x128xf32, #tpu.memory_space<hbm>>
        tpu.wait_dma2 semaphore(%run_scoped3A : memref<!tpu.dma_semaphore, #tpu.memory_space<semaphore_mem>>) src(%dma_wait3A_68 : memref<128x128xf32, #tpu.memory_space<hbm>>) dst(%dma_wait3A_66 : memref<128x128xf32, #tpu.memory_space<vmem>>)
        tpu.yield
      }) : () -> ()
      "tpu.region"() ({
        %run_scoped3A = tpu.sem_alloc : memref<!tpu.dma_semaphore, #tpu.memory_space<semaphore_mem>>
        %dma_start3A = arith.constant 0 : i32
        %dma_start3A_51 = arith.constant 0 : i32
        %dma_start3A_52 = tpu.memref_slice %arg9[%dma_start3A, %dma_start3A_51] : memref<384x128xf32, #tpu.memory_space<vmem>> -> memref<128x128xf32, #tpu.memory_space<vmem>>
        %dma_start3A_53 = arith.constant 0 : i32
        %dma_start3A_54 = tpu.memref_slice %arg4[%add3A_32, %dma_start3A_53] : memref<101376x128xf32, #tpu.memory_space<hbm>> -> memref<128x128xf32, #tpu.memory_space<hbm>>
        %dma_start3A_55 = arith.constant 0 : i32
        %dma_start3A_56 = arith.constant 0 : i32
        %dma_start3A_57 = tpu.memref_slice %arg9[%dma_start3A_55, %dma_start3A_56] : memref<384x128xf32, #tpu.memory_space<vmem>> -> memref<128x128xf32, #tpu.memory_space<vmem>>
        %dma_start3A_58 = arith.constant 0 : i32
        %dma_start3A_59 = tpu.memref_slice %arg4[%add3A_32, %dma_start3A_58] : memref<101376x128xf32, #tpu.memory_space<hbm>> -> memref<128x128xf32, #tpu.memory_space<hbm>>
        tpu.enqueue_dma source(%dma_start3A_59 : memref<128x128xf32, #tpu.memory_space<hbm>>) target(%dma_start3A_57 : memref<128x128xf32, #tpu.memory_space<vmem>>) target_semaphore(%run_scoped3A : memref<!tpu.dma_semaphore, #tpu.memory_space<semaphore_mem>>)
        %dma_wait3A = arith.constant 0 : i32
        %dma_wait3A_60 = arith.constant 0 : i32
        %dma_wait3A_61 = tpu.memref_slice %arg9[%dma_wait3A, %dma_wait3A_60] : memref<384x128xf32, #tpu.memory_space<vmem>> -> memref<128x128xf32, #tpu.memory_space<vmem>>
        %dma_wait3A_62 = arith.constant 0 : i32
        %dma_wait3A_63 = tpu.memref_slice %arg4[%add3A_32, %dma_wait3A_62] : memref<101376x128xf32, #tpu.memory_space<hbm>> -> memref<128x128xf32, #tpu.memory_space<hbm>>
        %dma_wait3A_64 = arith.constant 0 : i32
        %dma_wait3A_65 = arith.constant 0 : i32
        %dma_wait3A_66 = tpu.memref_slice %arg9[%dma_wait3A_64, %dma_wait3A_65] : memref<384x128xf32, #tpu.memory_space<vmem>> -> memref<128x128xf32, #tpu.memory_space<vmem>>
        %dma_wait3A_67 = arith.constant 0 : i32
        %dma_wait3A_68 = tpu.memref_slice %arg4[%add3A_32, %dma_wait3A_67] : memref<101376x128xf32, #tpu.memory_space<hbm>> -> memref<128x128xf32, #tpu.memory_space<hbm>>
        tpu.wait_dma2 semaphore(%run_scoped3A : memref<!tpu.dma_semaphore, #tpu.memory_space<semaphore_mem>>) src(%dma_wait3A_68 : memref<128x128xf32, #tpu.memory_space<hbm>>) dst(%dma_wait3A_66 : memref<128x128xf32, #tpu.memory_space<vmem>>)
        tpu.yield
      }) : () -> ()
      %scan3A_33 = arith.constant 0 : i32
      %scan3A_34 = arith.constant 0 : i32
      %scan3A_35 = arith.constant 14 : i32
      %scan3A_36 = arith.addi %scan3A_34, %scan3A_35 : i32
      %scan3A_37 = arith.constant 1 : i32
      scf.for %scan3A_51 = %scan3A_34 to %scan3A_36 step %scan3A_37  : i32 {
        %mul3A_52 = arith.constant 6 : i32
        %mul3A_53 = arith.muli %scan3A_51, %mul3A_52 : i32
        %add3A_54 = arith.addi %mul3A_53, %rem3A_27 : i32
        %dma_start3A = arith.constant 0 : i32
        %dma_start3A_55 = arith.constant 0 : i32
        %dma_start3A_56 = tpu.memref_slice %arg8[%dma_start3A, %dma_start3A_55] : memref<384x128xf32, #tpu.memory_space<vmem>> -> memref<128x128xf32, #tpu.memory_space<vmem>>
        %dma_start3A_57 = arith.constant 0 : i32
        %dma_start3A_58 = tpu.memref_slice %arg7[%add3A_54, %dma_start3A_57] : memref<88x128xi32, #tpu.memory_space<vmem>> -> memref<1x128xi32, #tpu.memory_space<vmem>>
        %dma_start3A_59 = tpu.memref_squeeze %dma_start3A_58 : memref<1x128xi32, #tpu.memory_space<vmem>> -> memref<128xi32, #tpu.memory_space<vmem>>
        %dma_start3A_60 = arith.constant 0 : i32
        %dma_start3A_61 = arith.constant 0 : i32
        %dma_start3A_62 = tpu.memref_slice %arg2[%dma_start3A_60, %dma_start3A_61] : memref<1419264x128xf32, #tpu.memory_space<hbm>> -> memref<1419264x128xf32, #tpu.memory_space<hbm>>
        tpu.enqueue_indirect_dma source(%dma_start3A_62 : memref<1419264x128xf32, #tpu.memory_space<hbm>>) target(%dma_start3A_56 : memref<128x128xf32, #tpu.memory_space<vmem>>) offsets(%dma_start3A_59 : memref<128xi32, #tpu.memory_space<vmem>>) semaphore(%arg10 : memref<!tpu.dma_semaphore, #tpu.memory_space<semaphore_mem>>) {add = true}
      }
      %scan3A_38 = arith.constant 14 : i32
      %scan3A_39 = arith.constant 0 : i32
      %scan3A_40 = arith.constant 0 : i32
      %scan3A_41 = arith.constant 13 : i32
      %scan3A_42 = arith.addi %scan3A_40, %scan3A_41 : i32
      %scan3A_43 = arith.constant 1 : i32
      scf.for %scan3A_51 = %scan3A_40 to %scan3A_42 step %scan3A_43  : i32 {
        %mul3A_52 = arith.constant 6 : i32
        %mul3A_53 = arith.muli %scan3A_51, %mul3A_52 : i32
        %add3A_54 = arith.constant 3 : i32
        %add3A_55 = arith.addi %mul3A_53, %add3A_54 : i32
        %add3A_56 = arith.addi %add3A_55, %rem3A_27 : i32
        %dma_start3A = arith.constant 0 : i32
        %dma_start3A_57 = arith.constant 0 : i32
        %dma_start3A_58 = tpu.memref_slice %arg9[%dma_start3A, %dma_start3A_57] : memref<384x128xf32, #tpu.memory_space<vmem>> -> memref<128x128xf32, #tpu.memory_space<vmem>>
        %dma_start3A_59 = arith.constant 0 : i32
        %dma_start3A_60 = tpu.memref_slice %arg7[%add3A_56, %dma_start3A_59] : memref<88x128xi32, #tpu.memory_space<vmem>> -> memref<1x128xi32, #tpu.memory_space<vmem>>
        %dma_start3A_61 = tpu.memref_squeeze %dma_start3A_60 : memref<1x128xi32, #tpu.memory_space<vmem>> -> memref<128xi32, #tpu.memory_space<vmem>>
        %dma_start3A_62 = arith.constant 0 : i32
        %dma_start3A_63 = arith.constant 0 : i32
        %dma_start3A_64 = tpu.memref_slice %arg2[%dma_start3A_62, %dma_start3A_63] : memref<1419264x128xf32, #tpu.memory_space<hbm>> -> memref<1419264x128xf32, #tpu.memory_space<hbm>>
        tpu.enqueue_indirect_dma source(%dma_start3A_64 : memref<1419264x128xf32, #tpu.memory_space<hbm>>) target(%dma_start3A_58 : memref<128x128xf32, #tpu.memory_space<vmem>>) offsets(%dma_start3A_61 : memref<128xi32, #tpu.memory_space<vmem>>) semaphore(%arg10 : memref<!tpu.dma_semaphore, #tpu.memory_space<semaphore_mem>>) {add = true}
      }
      %scan3A_44 = arith.constant 13 : i32
      %scan3A_45 = arith.constant 0 : i32
      %scan3A_46 = arith.constant 0 : i32
      %scan3A_47 = arith.constant 27 : i32
      %scan3A_48 = arith.addi %scan3A_46, %scan3A_47 : i32
      %scan3A_49 = arith.constant 1 : i32
      scf.for %scan3A_51 = %scan3A_46 to %scan3A_48 step %scan3A_49  : i32 {
        %dma_wait3A = arith.constant 0 : i32
        %dma_wait3A_52 = arith.constant 0 : i32
        %dma_wait3A_53 = arith.constant 0 : i32
        %dma_wait3A_54 = tpu.memref_slice %arg8[%dma_wait3A_52, %dma_wait3A_53] : memref<384x128xf32, #tpu.memory_space<vmem>> -> memref<128x128xf32, #tpu.memory_space<vmem>>
        %dma_wait3A_55 = arith.constant 0 : i32
        %dma_wait3A_56 = tpu.memref_slice %arg7[%dma_wait3A, %dma_wait3A_55] : memref<88x128xi32, #tpu.memory_space<vmem>> -> memref<1x128xi32, #tpu.memory_space<vmem>>
        %dma_wait3A_57 = tpu.memref_squeeze %dma_wait3A_56 : memref<1x128xi32, #tpu.memory_space<vmem>> -> memref<128xi32, #tpu.memory_space<vmem>>
        %dma_wait3A_58 = arith.constant 0 : i32
        %dma_wait3A_59 = arith.constant 0 : i32
        %dma_wait3A_60 = tpu.memref_slice %arg2[%dma_wait3A_58, %dma_wait3A_59] : memref<1419264x128xf32, #tpu.memory_space<hbm>> -> memref<1419264x128xf32, #tpu.memory_space<hbm>>
        tpu.wait_indirect_dma semaphore(%arg10 : memref<!tpu.dma_semaphore, #tpu.memory_space<semaphore_mem>>) src(%dma_wait3A_60 : memref<1419264x128xf32, #tpu.memory_space<hbm>>) dst(%dma_wait3A_54 : memref<128x128xf32, #tpu.memory_space<vmem>>)
      }
      %scan3A_50 = arith.constant 27 : i32
      "tpu.region"() ({
        %run_scoped3A = tpu.sem_alloc : memref<!tpu.dma_semaphore, #tpu.memory_space<semaphore_mem>>
        %dma_start3A = arith.constant 0 : i32
        %dma_start3A_51 = arith.constant 0 : i32
        %dma_start3A_52 = tpu.memref_slice %arg8[%dma_start3A, %dma_start3A_51] : memref<384x128xf32, #tpu.memory_space<vmem>> -> memref<128x128xf32, #tpu.memory_space<vmem>>
        %dma_start3A_53 = arith.constant 0 : i32
        %dma_start3A_54 = tpu.memref_slice %arg5[%add3A_32, %dma_start3A_53] : memref<101376x128xf32, #tpu.memory_space<hbm>> -> memref<128x128xf32, #tpu.memory_space<hbm>>
        %dma_start3A_55 = arith.constant 0 : i32
        %dma_start3A_56 = tpu.memref_slice %arg5[%add3A_32, %dma_start3A_55] : memref<101376x128xf32, #tpu.memory_space<hbm>> -> memref<128x128xf32, #tpu.memory_space<hbm>>
        %dma_start3A_57 = arith.constant 0 : i32
        %dma_start3A_58 = arith.constant 0 : i32
        %dma_start3A_59 = tpu.memref_slice %arg8[%dma_start3A_57, %dma_start3A_58] : memref<384x128xf32, #tpu.memory_space<vmem>> -> memref<128x128xf32, #tpu.memory_space<vmem>>
        tpu.enqueue_dma source(%dma_start3A_59 : memref<128x128xf32, #tpu.memory_space<vmem>>) target(%dma_start3A_56 : memref<128x128xf32, #tpu.memory_space<hbm>>) target_semaphore(%run_scoped3A : memref<!tpu.dma_semaphore, #tpu.memory_space<semaphore_mem>>)
        %dma_wait3A = arith.constant 0 : i32
        %dma_wait3A_60 = arith.constant 0 : i32
        %dma_wait3A_61 = tpu.memref_slice %arg8[%dma_wait3A, %dma_wait3A_60] : memref<384x128xf32, #tpu.memory_space<vmem>> -> memref<128x128xf32, #tpu.memory_space<vmem>>
        %dma_wait3A_62 = arith.constant 0 : i32
        %dma_wait3A_63 = tpu.memref_slice %arg5[%add3A_32, %dma_wait3A_62] : memref<101376x128xf32, #tpu.memory_space<hbm>> -> memref<128x128xf32, #tpu.memory_space<hbm>>
        %dma_wait3A_64 = arith.constant 0 : i32
        %dma_wait3A_65 = tpu.memref_slice %arg5[%add3A_32, %dma_wait3A_64] : memref<101376x128xf32, #tpu.memory_space<hbm>> -> memref<128x128xf32, #tpu.memory_space<hbm>>
        %dma_wait3A_66 = arith.constant 0 : i32
        %dma_wait3A_67 = arith.constant 0 : i32
        %dma_wait3A_68 = tpu.memref_slice %arg8[%dma_wait3A_66, %dma_wait3A_67] : memref<384x128xf32, #tpu.memory_space<vmem>> -> memref<128x128xf32, #tpu.memory_space<vmem>>
        tpu.wait_dma2 semaphore(%run_scoped3A : memref<!tpu.dma_semaphore, #tpu.memory_space<semaphore_mem>>) src(%dma_wait3A_68 : memref<128x128xf32, #tpu.memory_space<vmem>>) dst(%dma_wait3A_65 : memref<128x128xf32, #tpu.memory_space<hbm>>)
        tpu.yield
      }) : () -> ()
      "tpu.region"() ({
        %run_scoped3A = tpu.sem_alloc : memref<!tpu.dma_semaphore, #tpu.memory_space<semaphore_mem>>
        %dma_start3A = arith.constant 0 : i32
        %dma_start3A_51 = arith.constant 0 : i32
        %dma_start3A_52 = tpu.memref_slice %arg9[%dma_start3A, %dma_start3A_51] : memref<384x128xf32, #tpu.memory_space<vmem>> -> memref<128x128xf32, #tpu.memory_space<vmem>>
        %dma_start3A_53 = arith.constant 0 : i32
        %dma_start3A_54 = tpu.memref_slice %arg6[%add3A_32, %dma_start3A_53] : memref<101376x128xf32, #tpu.memory_space<hbm>> -> memref<128x128xf32, #tpu.memory_space<hbm>>
        %dma_start3A_55 = arith.constant 0 : i32
        %dma_start3A_56 = tpu.memref_slice %arg6[%add3A_32, %dma_start3A_55] : memref<101376x128xf32, #tpu.memory_space<hbm>> -> memref<128x128xf32, #tpu.memory_space<hbm>>
        %dma_start3A_57 = arith.constant 0 : i32
        %dma_start3A_58 = arith.constant 0 : i32
        %dma_start3A_59 = tpu.memref_slice %arg9[%dma_start3A_57, %dma_start3A_58] : memref<384x128xf32, #tpu.memory_space<vmem>> -> memref<128x128xf32, #tpu.memory_space<vmem>>
        tpu.enqueue_dma source(%dma_start3A_59 : memref<128x128xf32, #tpu.memory_space<vmem>>) target(%dma_start3A_56 : memref<128x128xf32, #tpu.memory_space<hbm>>) target_semaphore(%run_scoped3A : memref<!tpu.dma_semaphore, #tpu.memory_space<semaphore_mem>>)
        %dma_wait3A = arith.constant 0 : i32
        %dma_wait3A_60 = arith.constant 0 : i32
        %dma_wait3A_61 = tpu.memref_slice %arg9[%dma_wait3A, %dma_wait3A_60] : memref<384x128xf32, #tpu.memory_space<vmem>> -> memref<128x128xf32, #tpu.memory_space<vmem>>
        %dma_wait3A_62 = arith.constant 0 : i32
        %dma_wait3A_63 = tpu.memref_slice %arg6[%add3A_32, %dma_wait3A_62] : memref<101376x128xf32, #tpu.memory_space<hbm>> -> memref<128x128xf32, #tpu.memory_space<hbm>>
        %dma_wait3A_64 = arith.constant 0 : i32
        %dma_wait3A_65 = tpu.memref_slice %arg6[%add3A_32, %dma_wait3A_64] : memref<101376x128xf32, #tpu.memory_space<hbm>> -> memref<128x128xf32, #tpu.memory_space<hbm>>
        %dma_wait3A_66 = arith.constant 0 : i32
        %dma_wait3A_67 = arith.constant 0 : i32
        %dma_wait3A_68 = tpu.memref_slice %arg9[%dma_wait3A_66, %dma_wait3A_67] : memref<384x128xf32, #tpu.memory_space<vmem>> -> memref<128x128xf32, #tpu.memory_space<vmem>>
        tpu.wait_dma2 semaphore(%run_scoped3A : memref<!tpu.dma_semaphore, #tpu.memory_space<semaphore_mem>>) src(%dma_wait3A_68 : memref<128x128xf32, #tpu.memory_space<vmem>>) dst(%dma_wait3A_65 : memref<128x128xf32, #tpu.memory_space<hbm>>)
        tpu.yield
      }) : () -> ()
    } else {
    }
    return
  }
}

module attributes {stable_mosaic.version = 14 : i64} {
  func.func @_prep_kernel(%arg0: i32, %arg1: memref<3072x64xf32, #tpu.memory_space<vmem>>, %arg2: memref<3072x128xf32, #tpu.memory_space<vmem>>, %arg3: memref<3072x128xf32, #tpu.memory_space<vmem>>) attributes {dimension_semantics = [#tpu.dimension_semantics<arbitrary>], iteration_bounds = array<i64: 33>, scalar_prefetch = 0 : i64, scratch_operands = 0 : i64, tpu.core_type = #tpu.core_type<tc>, window_params = [{transform_indices = @transform_0, window_bounds = array<i64: 3072, 64>}, {transform_indices = @transform_1, window_bounds = array<i64: 3072, 128>}, {transform_indices = @transform_2, window_bounds = array<i64: 3072, 128>}]} {
    %mul3A = arith.constant 3072 : i32
    %mul3A_0 = arith.muli %arg0, %mul3A : i32
    %iota3A = tpu.iota {dimensions = array<i32: 0>} : vector<3072x1xi32>
    %add3A = vector.broadcast %mul3A_0 : i32 to vector<3072x1xi32>
    %add3A_1 = arith.addi %add3A, %iota3A : vector<3072x1xi32>
    %lt3A = arith.constant 100000 : i32
    %lt3A_2 = vector.broadcast %lt3A : i32 to vector<3072x1xi32>
    %lt3A_3 = arith.cmpi slt, %add3A_1, %lt3A_2 : vector<3072x1xi32>
    %get3A = arith.constant 0 : index
    %get3A_4 = arith.constant 0 : index
    %get3A_5 = vector.load %arg1[%get3A, %get3A_4] : memref<3072x64xf32, #tpu.memory_space<vmem>>, vector<3072x64xf32>
    %jit3A = arith.constant 0.000000e+00 : f32
    %broadcast_in_dim3A = vector.shape_cast %lt3A_3 : vector<3072x1xi1> to vector<3072x1xi1>
    %broadcast_in_dim3A_6 = vector.broadcast %broadcast_in_dim3A : vector<3072x1xi1> to vector<3072x64xi1>
    %broadcast_in_dim3A_7 = vector.broadcast %jit3A : f32 to vector<3072x64xf32>
    %select_n3A = arith.select %broadcast_in_dim3A_6, %get3A_5, %broadcast_in_dim3A_7 : vector<3072x64xi1>, vector<3072x64xf32>
    %broadcast_in_dim3A_8 = arith.constant 0.000000e+00 : f32
    %broadcast_in_dim3A_9 = vector.broadcast %broadcast_in_dim3A_8 : f32 to vector<3072x64xf32>
    %concatenate3A = tpu.concatenate %select_n3A, %broadcast_in_dim3A_9 in 1 : vector<3072x64xf32>, vector<3072x64xf32> -> vector<3072x128xf32>
    %swap3A = arith.constant 0 : index
    %swap3A_10 = arith.constant 0 : index
    %swap3A_11 = vector.load %arg2[%swap3A, %swap3A_10] : memref<3072x128xf32, #tpu.memory_space<vmem>>, vector<3072x128xf32>
    tpu.vector_store %arg2[%swap3A, %swap3A_10], %concatenate3A {strides = array<i32>} : memref<3072x128xf32, #tpu.memory_space<vmem>>, vector<3072x128xf32>,
    %broadcast_in_dim3A_12 = arith.constant 0.000000e+00 : f32
    %broadcast_in_dim3A_13 = vector.broadcast %broadcast_in_dim3A_12 : f32 to vector<3072x128xf32>
    %swap3A_14 = arith.constant 0 : index
    %swap3A_15 = arith.constant 0 : index
    %swap3A_16 = vector.load %arg3[%swap3A_14, %swap3A_15] : memref<3072x128xf32, #tpu.memory_space<vmem>>, vector<3072x128xf32>
    tpu.vector_store %arg3[%swap3A_14, %swap3A_15], %broadcast_in_dim3A_13 {strides = array<i32>} : memref<3072x128xf32, #tpu.memory_space<vmem>>, vector<3072x128xf32>,
    return
  }
  func.func @transform_0(%arg0: i32) -> (i32, i32) {
    %c0_i32 = arith.constant 0 : i32
    %c0_i32_0 = arith.constant 0 : i32
    return %arg0, %c0_i32 : i32, i32
  }
  func.func @transform_1(%arg0: i32) -> (i32, i32) {
    %c0_i32 = arith.constant 0 : i32
    %c0_i32_0 = arith.constant 0 : i32
    return %arg0, %c0_i32 : i32, i32
  }
  func.func @transform_2(%arg0: i32) -> (i32, i32) {
    %c0_i32 = arith.constant 0 : i32
    %c0_i32_0 = arith.constant 0 : i32
    return %arg0, %c0_i32 : i32, i32
  }
}

module attributes {stable_mosaic.version = 14 : i64} {
  func.func @_stats_kernel(%arg0: i32, %arg1: memref<3072x128xf32, #tpu.memory_space<vmem>>, %arg2: memref<3072x128xf32, #tpu.memory_space<vmem>>, %arg3: memref<8x64xf32, #tpu.memory_space<vmem>>) attributes {dimension_semantics = [#tpu.dimension_semantics<arbitrary>], iteration_bounds = array<i64: 33>, scalar_prefetch = 0 : i64, scratch_operands = 0 : i64, tpu.core_type = #tpu.core_type<tc>, window_params = [{transform_indices = @transform_0, window_bounds = array<i64: 3072, 128>}, {transform_indices = @transform_1, window_bounds = array<i64: 3072, 128>}, {pipeline_mode = #tpu.pipeline_mode<synchronous>, transform_indices = @transform_2, window_bounds = array<i64: 8, 64>}]} {
    %get3A = arith.constant 0 : index
    %get3A_0 = arith.constant 0 : index
    %get3A_1 = vector.load %arg1[%get3A, %get3A_0] : memref<3072x128xf32, #tpu.memory_space<vmem>>, vector<3072x64xf32>
    %get3A_2 = arith.constant 0 : index
    %get3A_3 = arith.constant 64 : index
    %get3A_4 = vector.load %arg2[%get3A_2, %get3A_3] : memref<3072x128xf32, #tpu.memory_space<vmem>>, vector<3072x64xf32>
    %add3A = arith.addf %get3A_1, %get3A_4 : vector<3072x64xf32>
    %reduce_sum3A = arith.constant dense<0.000000e+00> : vector<64xf32>
    %reduce_sum3A_5 = vector.multi_reduction <add>, %add3A, %reduce_sum3A [0] : vector<3072x64xf32> to vector<64xf32>
    %broadcast_in_dim3A = vector.shape_cast %reduce_sum3A_5 : vector<64xf32> to vector<1x64xf32>
    %mul3A = arith.mulf %add3A, %add3A : vector<3072x64xf32>
    %reduce_sum3A_6 = arith.constant dense<0.000000e+00> : vector<64xf32>
    %reduce_sum3A_7 = vector.multi_reduction <add>, %mul3A, %reduce_sum3A_6 [0] : vector<3072x64xf32> to vector<64xf32>
    %broadcast_in_dim3A_8 = vector.shape_cast %reduce_sum3A_7 : vector<64xf32> to vector<1x64xf32>
    %broadcast_in_dim3A_9 = arith.constant 0.000000e+00 : f32
    %broadcast_in_dim3A_10 = vector.broadcast %broadcast_in_dim3A_9 : f32 to vector<6x64xf32>
    %concatenate3A = tpu.concatenate %broadcast_in_dim3A, %broadcast_in_dim3A_8, %broadcast_in_dim3A_10 in 0 : vector<1x64xf32>, vector<1x64xf32>, vector<6x64xf32> -> vector<8x64xf32>
    %eq3A = arith.constant 0 : i32
    %eq3A_11 = arith.cmpi eq, %arg0, %eq3A : i32
    %convert_element_type3A = arith.extui %eq3A_11 : i1 to i32
    %cond3A = arith.constant 0 : i32
    %cond3A_12 = arith.cmpi ne, %convert_element_type3A, %cond3A : i32
    scf.if %cond3A_12 {
      %swap3A = arith.constant 0 : index
      %swap3A_17 = arith.constant 0 : index
      %swap3A_18 = vector.load %arg3[%swap3A, %swap3A_17] : memref<8x64xf32, #tpu.memory_space<vmem>>, vector<8x64xf32>
      tpu.vector_store %arg3[%swap3A, %swap3A_17], %concatenate3A {strides = array<i32>} : memref<8x64xf32, #tpu.memory_space<vmem>>, vector<8x64xf32>,
    } else {
    }
    %ne3A = arith.constant 0 : i32
    %ne3A_13 = arith.cmpi ne, %arg0, %ne3A : i32
    %convert_element_type3A_14 = arith.extui %ne3A_13 : i1 to i32
    %cond3A_15 = arith.constant 0 : i32
    %cond3A_16 = arith.cmpi ne, %convert_element_type3A_14, %cond3A_15 : i32
    scf.if %cond3A_16 {
      %get3A_17 = arith.constant 0 : index
      %get3A_18 = arith.constant 0 : index
      %get3A_19 = vector.load %arg3[%get3A_17, %get3A_18] : memref<8x64xf32, #tpu.memory_space<vmem>>, vector<8x64xf32>
      %add3A_20 = arith.addf %get3A_19, %concatenate3A : vector<8x64xf32>
      %swap3A = arith.constant 0 : index
      %swap3A_21 = arith.constant 0 : index
      %swap3A_22 = vector.load %arg3[%swap3A, %swap3A_21] : memref<8x64xf32, #tpu.memory_space<vmem>>, vector<8x64xf32>
      tpu.vector_store %arg3[%swap3A, %swap3A_21], %add3A_20 {strides = array<i32>} : memref<8x64xf32, #tpu.memory_space<vmem>>, vector<8x64xf32>,
    } else {
    }
    return
  }
  func.func @transform_0(%arg0: i32) -> (i32, i32) {
    %c0_i32 = arith.constant 0 : i32
    %c0_i32_0 = arith.constant 0 : i32
    return %arg0, %c0_i32 : i32, i32
  }
  func.func @transform_1(%arg0: i32) -> (i32, i32) {
    %c0_i32 = arith.constant 0 : i32
    %c0_i32_0 = arith.constant 0 : i32
    return %arg0, %c0_i32 : i32, i32
  }
  func.func @transform_2(%arg0: i32) -> (i32, i32) {
    %c0_i32 = arith.constant 0 : i32
    %c0_i32_0 = arith.constant 0 : i32
    %c0_i32_1 = arith.constant 0 : i32
    return %c0_i32, %c0_i32_0 : i32, i32
  }
}

module attributes {stable_mosaic.version = 14 : i64} {
  func.func @_transform_kernel(%arg0: i32, %arg1: memref<1536x128xf32, #tpu.memory_space<vmem>>, %arg2: memref<1536x128xf32, #tpu.memory_space<vmem>>, %arg3: memref<8x64xf32, #tpu.memory_space<vmem>>, %arg4: memref<1x64xf32, #tpu.memory_space<vmem>>, %arg5: memref<1x64xf32, #tpu.memory_space<vmem>>, %arg6: memref<14x64x128xf32, #tpu.memory_space<vmem>>, %arg7: memref<14x1x128xf32, #tpu.memory_space<vmem>>, %arg8: memref<14x1536x128xf32, #tpu.memory_space<vmem>>) attributes {dimension_semantics = [#tpu.dimension_semantics<arbitrary>], iteration_bounds = array<i64: 66>, scalar_prefetch = 0 : i64, scratch_operands = 0 : i64, tpu.core_type = #tpu.core_type<tc>, window_params = [{transform_indices = @transform_0, window_bounds = array<i64: 1536, 128>}, {transform_indices = @transform_1, window_bounds = array<i64: 1536, 128>}, {pipeline_mode = #tpu.pipeline_mode<synchronous>, transform_indices = @transform_2, window_bounds = array<i64: 8, 64>}, {pipeline_mode = #tpu.pipeline_mode<synchronous>, transform_indices = @transform_3, window_bounds = array<i64: 1, 64>}, {pipeline_mode = #tpu.pipeline_mode<synchronous>, transform_indices = @transform_4, window_bounds = array<i64: 1, 64>}, {pipeline_mode = #tpu.pipeline_mode<synchronous>, transform_indices = @transform_5, window_bounds = array<i64: 14, 64, 128>}, {pipeline_mode = #tpu.pipeline_mode<synchronous>, transform_indices = @transform_6, window_bounds = array<i64: 14, 1, 128>}, {transform_indices = @transform_7, window_bounds = array<i64: 14, 1536, 128>}]} {
    %get3A = arith.constant 0 : index
    %get3A_0 = arith.constant 0 : index
    %get3A_1 = vector.load %arg3[%get3A, %get3A_0] : memref<8x64xf32, #tpu.memory_space<vmem>>, vector<1x64xf32>
    %mul3A = arith.constant 9.99999974E-6 : f32
    %mul3A_2 = vector.broadcast %mul3A : f32 to vector<1x64xf32>
    %mul3A_3 = arith.mulf %get3A_1, %mul3A_2 : vector<1x64xf32>
    %get3A_4 = arith.constant 1 : index
    %get3A_5 = arith.constant 0 : index
    %get3A_6 = vector.load %arg3[%get3A_4, %get3A_5] : memref<8x64xf32, #tpu.memory_space<vmem>>, vector<1x64xf32>
    %mul3A_7 = arith.constant 9.99999974E-6 : f32
    %mul3A_8 = vector.broadcast %mul3A_7 : f32 to vector<1x64xf32>
    %mul3A_9 = arith.mulf %get3A_6, %mul3A_8 : vector<1x64xf32>
    %mul3A_10 = arith.mulf %mul3A_3, %mul3A_3 : vector<1x64xf32>
    %sub3A = arith.subf %mul3A_9, %mul3A_10 : vector<1x64xf32>
    %add3A = arith.constant 9.99999974E-5 : f32
    %add3A_11 = vector.broadcast %add3A : f32 to vector<1x64xf32>
    %add3A_12 = arith.addf %sub3A, %add3A_11 : vector<1x64xf32>
    %rsqrt3A = math.rsqrt %add3A_12 : vector<1x64xf32>
    %get3A_13 = arith.constant 0 : index
    %get3A_14 = arith.constant 0 : index
    %get3A_15 = vector.load %arg1[%get3A_13, %get3A_14] : memref<1536x128xf32, #tpu.memory_space<vmem>>, vector<1536x64xf32>
    %get3A_16 = arith.constant 0 : index
    %get3A_17 = arith.constant 64 : index
    %get3A_18 = vector.load %arg2[%get3A_16, %get3A_17] : memref<1536x128xf32, #tpu.memory_space<vmem>>, vector<1536x64xf32>
    %add3A_19 = arith.addf %get3A_15, %get3A_18 : vector<1536x64xf32>
    %sub3A_20 = vector.broadcast %mul3A_3 : vector<1x64xf32> to vector<1536x64xf32>
    %sub3A_21 = arith.subf %add3A_19, %sub3A_20 : vector<1536x64xf32>
    %get3A_22 = arith.constant 0 : index
    %get3A_23 = arith.constant 0 : index
    %get3A_24 = vector.load %arg4[%get3A_22, %get3A_23] : memref<1x64xf32, #tpu.memory_space<vmem>>, vector<1x64xf32>
    %mul3A_25 = arith.mulf %rsqrt3A, %get3A_24 : vector<1x64xf32>
    %mul3A_26 = vector.broadcast %mul3A_25 : vector<1x64xf32> to vector<1536x64xf32>
    %mul3A_27 = arith.mulf %sub3A_21, %mul3A_26 : vector<1536x64xf32>
    %get3A_28 = arith.constant 0 : index
    %get3A_29 = arith.constant 0 : index
    %get3A_30 = vector.load %arg5[%get3A_28, %get3A_29] : memref<1x64xf32, #tpu.memory_space<vmem>>, vector<1x64xf32>
    %add3A_31 = vector.broadcast %get3A_30 : vector<1x64xf32> to vector<1536x64xf32>
    %add3A_32 = arith.addf %mul3A_27, %add3A_31 : vector<1536x64xf32>
    %max3A = arith.constant 0.000000e+00 : f32
    %max3A_33 = vector.broadcast %max3A : f32 to vector<1536x64xf32>
    %max3A_34 = arith.maximumf %add3A_32, %max3A_33 : vector<1536x64xf32>
    %mul3A_35 = arith.constant 1536 : i32
    %mul3A_36 = arith.muli %arg0, %mul3A_35 : i32
    %iota3A = tpu.iota {dimensions = array<i32: 0>} : vector<1536x1xi32>
    %add3A_37 = vector.broadcast %mul3A_36 : i32 to vector<1536x1xi32>
    %add3A_38 = arith.addi %add3A_37, %iota3A : vector<1536x1xi32>
    %lt3A = arith.constant 100000 : i32
    %lt3A_39 = vector.broadcast %lt3A : i32 to vector<1536x1xi32>
    %lt3A_40 = arith.cmpi slt, %add3A_38, %lt3A_39 : vector<1536x1xi32>
    %jit3A = arith.constant 0.000000e+00 : f32
    %broadcast_in_dim3A = vector.shape_cast %lt3A_40 : vector<1536x1xi1> to vector<1536x1xi1>
    %broadcast_in_dim3A_41 = vector.broadcast %broadcast_in_dim3A : vector<1536x1xi1> to vector<1536x64xi1>
    %broadcast_in_dim3A_42 = vector.broadcast %jit3A : f32 to vector<1536x64xf32>
    %select_n3A = arith.select %broadcast_in_dim3A_41, %max3A_34, %broadcast_in_dim3A_42 : vector<1536x64xi1>, vector<1536x64xf32>
    %get3A_43 = arith.constant 0 : index
    %get3A_44 = arith.constant 0 : index
    %get3A_45 = arith.constant 0 : index
    %get3A_46 = vector.load %arg6[%get3A_43, %get3A_44, %get3A_45] : memref<14x64x128xf32, #tpu.memory_space<vmem>>, vector<1x64x128xf32>
    %get3A_47 = vector.shape_cast %get3A_46 : vector<1x64x128xf32> to vector<64x128xf32>
    %dot_general3A = arith.constant dense<0.000000e+00> : vector<1536x128xf32>
    %dot_general3A_48 = tpu.matmul %select_n3A, %get3A_47, %dot_general3A {dimension_numbers = #tpu.dot_dimension_numbers<[1], [0], [0], [1], [0, 0, 1, 1], [], []>, transpose_lhs_hint = false} : vector<1536x64xf32>, vector<64x128xf32>, vector<1536x128xf32> -> vector<1536x128xf32>
    %get3A_49 = arith.constant 0 : index
    %get3A_50 = arith.constant 0 : index
    %get3A_51 = arith.constant 0 : index
    %get3A_52 = vector.load %arg7[%get3A_49, %get3A_50, %get3A_51] : memref<14x1x128xf32, #tpu.memory_space<vmem>>, vector<1x1x128xf32>
    %get3A_53 = vector.shape_cast %get3A_52 : vector<1x1x128xf32> to vector<1x128xf32>
    %add3A_54 = vector.broadcast %get3A_53 : vector<1x128xf32> to vector<1536x128xf32>
    %add3A_55 = arith.addf %dot_general3A_48, %add3A_54 : vector<1536x128xf32>
    %swap3A = arith.constant 0 : index
    %swap3A_56 = arith.constant 0 : index
    %swap3A_57 = arith.constant 0 : index
    %swap3A_58 = vector.load %arg8[%swap3A, %swap3A_56, %swap3A_57] : memref<14x1536x128xf32, #tpu.memory_space<vmem>>, vector<1x1536x128xf32>
    %swap3A_59 = vector.shape_cast %swap3A_58 : vector<1x1536x128xf32> to vector<1536x128xf32>
    %swap3A_60 = vector.shape_cast %add3A_55 : vector<1536x128xf32> to vector<1x1536x128xf32>
    tpu.vector_store %arg8[%swap3A, %swap3A_56, %swap3A_57], %swap3A_60 {strides = array<i32>} : memref<14x1536x128xf32, #tpu.memory_space<vmem>>, vector<1x1536x128xf32>,
    %get3A_61 = arith.constant 1 : index
    %get3A_62 = arith.constant 0 : index
    %get3A_63 = arith.constant 0 : index
    %get3A_64 = vector.load %arg6[%get3A_61, %get3A_62, %get3A_63] : memref<14x64x128xf32, #tpu.memory_space<vmem>>, vector<1x64x128xf32>
    %get3A_65 = vector.shape_cast %get3A_64 : vector<1x64x128xf32> to vector<64x128xf32>
    %dot_general3A_66 = arith.constant dense<0.000000e+00> : vector<1536x128xf32>
    %dot_general3A_67 = tpu.matmul %select_n3A, %get3A_65, %dot_general3A_66 {dimension_numbers = #tpu.dot_dimension_numbers<[1], [0], [0], [1], [0, 0, 1, 1], [], []>, transpose_lhs_hint = false} : vector<1536x64xf32>, vector<64x128xf32>, vector<1536x128xf32> -> vector<1536x128xf32>
    %get3A_68 = arith.constant 1 : index
    %get3A_69 = arith.constant 0 : index
    %get3A_70 = arith.constant 0 : index
    %get3A_71 = vector.load %arg7[%get3A_68, %get3A_69, %get3A_70] : memref<14x1x128xf32, #tpu.memory_space<vmem>>, vector<1x1x128xf32>
    %get3A_72 = vector.shape_cast %get3A_71 : vector<1x1x128xf32> to vector<1x128xf32>
    %add3A_73 = vector.broadcast %get3A_72 : vector<1x128xf32> to vector<1536x128xf32>
    %add3A_74 = arith.addf %dot_general3A_67, %add3A_73 : vector<1536x128xf32>
    %swap3A_75 = arith.constant 1 : index
    %swap3A_76 = arith.constant 0 : index
    %swap3A_77 = arith.constant 0 : index
    %swap3A_78 = vector.load %arg8[%swap3A_75, %swap3A_76, %swap3A_77] : memref<14x1536x128xf32, #tpu.memory_space<vmem>>, vector<1x1536x128xf32>
    %swap3A_79 = vector.shape_cast %swap3A_78 : vector<1x1536x128xf32> to vector<1536x128xf32>
    %swap3A_80 = vector.shape_cast %add3A_74 : vector<1536x128xf32> to vector<1x1536x128xf32>
    tpu.vector_store %arg8[%swap3A_75, %swap3A_76, %swap3A_77], %swap3A_80 {strides = array<i32>} : memref<14x1536x128xf32, #tpu.memory_space<vmem>>, vector<1x1536x128xf32>,
    %get3A_81 = arith.constant 2 : index
    %get3A_82 = arith.constant 0 : index
    %get3A_83 = arith.constant 0 : index
    %get3A_84 = vector.load %arg6[%get3A_81, %get3A_82, %get3A_83] : memref<14x64x128xf32, #tpu.memory_space<vmem>>, vector<1x64x128xf32>
    %get3A_85 = vector.shape_cast %get3A_84 : vector<1x64x128xf32> to vector<64x128xf32>
    %dot_general3A_86 = arith.constant dense<0.000000e+00> : vector<1536x128xf32>
    %dot_general3A_87 = tpu.matmul %select_n3A, %get3A_85, %dot_general3A_86 {dimension_numbers = #tpu.dot_dimension_numbers<[1], [0], [0], [1], [0, 0, 1, 1], [], []>, transpose_lhs_hint = false} : vector<1536x64xf32>, vector<64x128xf32>, vector<1536x128xf32> -> vector<1536x128xf32>
    %get3A_88 = arith.constant 2 : index
    %get3A_89 = arith.constant 0 : index
    %get3A_90 = arith.constant 0 : index
    %get3A_91 = vector.load %arg7[%get3A_88, %get3A_89, %get3A_90] : memref<14x1x128xf32, #tpu.memory_space<vmem>>, vector<1x1x128xf32>
    %get3A_92 = vector.shape_cast %get3A_91 : vector<1x1x128xf32> to vector<1x128xf32>
    %add3A_93 = vector.broadcast %get3A_92 : vector<1x128xf32> to vector<1536x128xf32>
    %add3A_94 = arith.addf %dot_general3A_87, %add3A_93 : vector<1536x128xf32>
    %swap3A_95 = arith.constant 2 : index
    %swap3A_96 = arith.constant 0 : index
    %swap3A_97 = arith.constant 0 : index
    %swap3A_98 = vector.load %arg8[%swap3A_95, %swap3A_96, %swap3A_97] : memref<14x1536x128xf32, #tpu.memory_space<vmem>>, vector<1x1536x128xf32>
    %swap3A_99 = vector.shape_cast %swap3A_98 : vector<1x1536x128xf32> to vector<1536x128xf32>
    %swap3A_100 = vector.shape_cast %add3A_94 : vector<1536x128xf32> to vector<1x1536x128xf32>
    tpu.vector_store %arg8[%swap3A_95, %swap3A_96, %swap3A_97], %swap3A_100 {strides = array<i32>} : memref<14x1536x128xf32, #tpu.memory_space<vmem>>, vector<1x1536x128xf32>,
    %get3A_101 = arith.constant 3 : index
    %get3A_102 = arith.constant 0 : index
    %get3A_103 = arith.constant 0 : index
    %get3A_104 = vector.load %arg6[%get3A_101, %get3A_102, %get3A_103] : memref<14x64x128xf32, #tpu.memory_space<vmem>>, vector<1x64x128xf32>
    %get3A_105 = vector.shape_cast %get3A_104 : vector<1x64x128xf32> to vector<64x128xf32>
    %dot_general3A_106 = arith.constant dense<0.000000e+00> : vector<1536x128xf32>
    %dot_general3A_107 = tpu.matmul %select_n3A, %get3A_105, %dot_general3A_106 {dimension_numbers = #tpu.dot_dimension_numbers<[1], [0], [0], [1], [0, 0, 1, 1], [], []>, transpose_lhs_hint = false} : vector<1536x64xf32>, vector<64x128xf32>, vector<1536x128xf32> -> vector<1536x128xf32>
    %get3A_108 = arith.constant 3 : index
    %get3A_109 = arith.constant 0 : index
    %get3A_110 = arith.constant 0 : index
    %get3A_111 = vector.load %arg7[%get3A_108, %get3A_109, %get3A_110] : memref<14x1x128xf32, #tpu.memory_space<vmem>>, vector<1x1x128xf32>
    %get3A_112 = vector.shape_cast %get3A_111 : vector<1x1x128xf32> to vector<1x128xf32>
    %add3A_113 = vector.broadcast %get3A_112 : vector<1x128xf32> to vector<1536x128xf32>
    %add3A_114 = arith.addf %dot_general3A_107, %add3A_113 : vector<1536x128xf32>
    %swap3A_115 = arith.constant 3 : index
    %swap3A_116 = arith.constant 0 : index
    %swap3A_117 = arith.constant 0 : index
    %swap3A_118 = vector.load %arg8[%swap3A_115, %swap3A_116, %swap3A_117] : memref<14x1536x128xf32, #tpu.memory_space<vmem>>, vector<1x1536x128xf32>
    %swap3A_119 = vector.shape_cast %swap3A_118 : vector<1x1536x128xf32> to vector<1536x128xf32>
    %swap3A_120 = vector.shape_cast %add3A_114 : vector<1536x128xf32> to vector<1x1536x128xf32>
    tpu.vector_store %arg8[%swap3A_115, %swap3A_116, %swap3A_117], %swap3A_120 {strides = array<i32>} : memref<14x1536x128xf32, #tpu.memory_space<vmem>>, vector<1x1536x128xf32>,
    %get3A_121 = arith.constant 4 : index
    %get3A_122 = arith.constant 0 : index
    %get3A_123 = arith.constant 0 : index
    %get3A_124 = vector.load %arg6[%get3A_121, %get3A_122, %get3A_123] : memref<14x64x128xf32, #tpu.memory_space<vmem>>, vector<1x64x128xf32>
    %get3A_125 = vector.shape_cast %get3A_124 : vector<1x64x128xf32> to vector<64x128xf32>
    %dot_general3A_126 = arith.constant dense<0.000000e+00> : vector<1536x128xf32>
    %dot_general3A_127 = tpu.matmul %select_n3A, %get3A_125, %dot_general3A_126 {dimension_numbers = #tpu.dot_dimension_numbers<[1], [0], [0], [1], [0, 0, 1, 1], [], []>, transpose_lhs_hint = false} : vector<1536x64xf32>, vector<64x128xf32>, vector<1536x128xf32> -> vector<1536x128xf32>
    %get3A_128 = arith.constant 4 : index
    %get3A_129 = arith.constant 0 : index
    %get3A_130 = arith.constant 0 : index
    %get3A_131 = vector.load %arg7[%get3A_128, %get3A_129, %get3A_130] : memref<14x1x128xf32, #tpu.memory_space<vmem>>, vector<1x1x128xf32>
    %get3A_132 = vector.shape_cast %get3A_131 : vector<1x1x128xf32> to vector<1x128xf32>
    %add3A_133 = vector.broadcast %get3A_132 : vector<1x128xf32> to vector<1536x128xf32>
    %add3A_134 = arith.addf %dot_general3A_127, %add3A_133 : vector<1536x128xf32>
    %swap3A_135 = arith.constant 4 : index
    %swap3A_136 = arith.constant 0 : index
    %swap3A_137 = arith.constant 0 : index
    %swap3A_138 = vector.load %arg8[%swap3A_135, %swap3A_136, %swap3A_137] : memref<14x1536x128xf32, #tpu.memory_space<vmem>>, vector<1x1536x128xf32>
    %swap3A_139 = vector.shape_cast %swap3A_138 : vector<1x1536x128xf32> to vector<1536x128xf32>
    %swap3A_140 = vector.shape_cast %add3A_134 : vector<1536x128xf32> to vector<1x1536x128xf32>
    tpu.vector_store %arg8[%swap3A_135, %swap3A_136, %swap3A_137], %swap3A_140 {strides = array<i32>} : memref<14x1536x128xf32, #tpu.memory_space<vmem>>, vector<1x1536x128xf32>,
    %get3A_141 = arith.constant 5 : index
    %get3A_142 = arith.constant 0 : index
    %get3A_143 = arith.constant 0 : index
    %get3A_144 = vector.load %arg6[%get3A_141, %get3A_142, %get3A_143] : memref<14x64x128xf32, #tpu.memory_space<vmem>>, vector<1x64x128xf32>
    %get3A_145 = vector.shape_cast %get3A_144 : vector<1x64x128xf32> to vector<64x128xf32>
    %dot_general3A_146 = arith.constant dense<0.000000e+00> : vector<1536x128xf32>
    %dot_general3A_147 = tpu.matmul %select_n3A, %get3A_145, %dot_general3A_146 {dimension_numbers = #tpu.dot_dimension_numbers<[1], [0], [0], [1], [0, 0, 1, 1], [], []>, transpose_lhs_hint = false} : vector<1536x64xf32>, vector<64x128xf32>, vector<1536x128xf32> -> vector<1536x128xf32>
    %get3A_148 = arith.constant 5 : index
    %get3A_149 = arith.constant 0 : index
    %get3A_150 = arith.constant 0 : index
    %get3A_151 = vector.load %arg7[%get3A_148, %get3A_149, %get3A_150] : memref<14x1x128xf32, #tpu.memory_space<vmem>>, vector<1x1x128xf32>
    %get3A_152 = vector.shape_cast %get3A_151 : vector<1x1x128xf32> to vector<1x128xf32>
    %add3A_153 = vector.broadcast %get3A_152 : vector<1x128xf32> to vector<1536x128xf32>
    %add3A_154 = arith.addf %dot_general3A_147, %add3A_153 : vector<1536x128xf32>
    %swap3A_155 = arith.constant 5 : index
    %swap3A_156 = arith.constant 0 : index
    %swap3A_157 = arith.constant 0 : index
    %swap3A_158 = vector.load %arg8[%swap3A_155, %swap3A_156, %swap3A_157] : memref<14x1536x128xf32, #tpu.memory_space<vmem>>, vector<1x1536x128xf32>
    %swap3A_159 = vector.shape_cast %swap3A_158 : vector<1x1536x128xf32> to vector<1536x128xf32>
    %swap3A_160 = vector.shape_cast %add3A_154 : vector<1536x128xf32> to vector<1x1536x128xf32>
    tpu.vector_store %arg8[%swap3A_155, %swap3A_156, %swap3A_157], %swap3A_160 {strides = array<i32>} : memref<14x1536x128xf32, #tpu.memory_space<vmem>>, vector<1x1536x128xf32>,
    %get3A_161 = arith.constant 6 : index
    %get3A_162 = arith.constant 0 : index
    %get3A_163 = arith.constant 0 : index
    %get3A_164 = vector.load %arg6[%get3A_161, %get3A_162, %get3A_163] : memref<14x64x128xf32, #tpu.memory_space<vmem>>, vector<1x64x128xf32>
    %get3A_165 = vector.shape_cast %get3A_164 : vector<1x64x128xf32> to vector<64x128xf32>
    %dot_general3A_166 = arith.constant dense<0.000000e+00> : vector<1536x128xf32>
    %dot_general3A_167 = tpu.matmul %select_n3A, %get3A_165, %dot_general3A_166 {dimension_numbers = #tpu.dot_dimension_numbers<[1], [0], [0], [1], [0, 0, 1, 1], [], []>, transpose_lhs_hint = false} : vector<1536x64xf32>, vector<64x128xf32>, vector<1536x128xf32> -> vector<1536x128xf32>
    %get3A_168 = arith.constant 6 : index
    %get3A_169 = arith.constant 0 : index
    %get3A_170 = arith.constant 0 : index
    %get3A_171 = vector.load %arg7[%get3A_168, %get3A_169, %get3A_170] : memref<14x1x128xf32, #tpu.memory_space<vmem>>, vector<1x1x128xf32>
    %get3A_172 = vector.shape_cast %get3A_171 : vector<1x1x128xf32> to vector<1x128xf32>
    %add3A_173 = vector.broadcast %get3A_172 : vector<1x128xf32> to vector<1536x128xf32>
    %add3A_174 = arith.addf %dot_general3A_167, %add3A_173 : vector<1536x128xf32>
    %swap3A_175 = arith.constant 6 : index
    %swap3A_176 = arith.constant 0 : index
    %swap3A_177 = arith.constant 0 : index
    %swap3A_178 = vector.load %arg8[%swap3A_175, %swap3A_176, %swap3A_177] : memref<14x1536x128xf32, #tpu.memory_space<vmem>>, vector<1x1536x128xf32>
    %swap3A_179 = vector.shape_cast %swap3A_178 : vector<1x1536x128xf32> to vector<1536x128xf32>
    %swap3A_180 = vector.shape_cast %add3A_174 : vector<1536x128xf32> to vector<1x1536x128xf32>
    tpu.vector_store %arg8[%swap3A_175, %swap3A_176, %swap3A_177], %swap3A_180 {strides = array<i32>} : memref<14x1536x128xf32, #tpu.memory_space<vmem>>, vector<1x1536x128xf32>,
    %get3A_181 = arith.constant 7 : index
    %get3A_182 = arith.constant 0 : index
    %get3A_183 = arith.constant 0 : index
    %get3A_184 = vector.load %arg6[%get3A_181, %get3A_182, %get3A_183] : memref<14x64x128xf32, #tpu.memory_space<vmem>>, vector<1x64x128xf32>
    %get3A_185 = vector.shape_cast %get3A_184 : vector<1x64x128xf32> to vector<64x128xf32>
    %dot_general3A_186 = arith.constant dense<0.000000e+00> : vector<1536x128xf32>
    %dot_general3A_187 = tpu.matmul %select_n3A, %get3A_185, %dot_general3A_186 {dimension_numbers = #tpu.dot_dimension_numbers<[1], [0], [0], [1], [0, 0, 1, 1], [], []>, transpose_lhs_hint = false} : vector<1536x64xf32>, vector<64x128xf32>, vector<1536x128xf32> -> vector<1536x128xf32>
    %get3A_188 = arith.constant 7 : index
    %get3A_189 = arith.constant 0 : index
    %get3A_190 = arith.constant 0 : index
    %get3A_191 = vector.load %arg7[%get3A_188, %get3A_189, %get3A_190] : memref<14x1x128xf32, #tpu.memory_space<vmem>>, vector<1x1x128xf32>
    %get3A_192 = vector.shape_cast %get3A_191 : vector<1x1x128xf32> to vector<1x128xf32>
    %add3A_193 = vector.broadcast %get3A_192 : vector<1x128xf32> to vector<1536x128xf32>
    %add3A_194 = arith.addf %dot_general3A_187, %add3A_193 : vector<1536x128xf32>
    %swap3A_195 = arith.constant 7 : index
    %swap3A_196 = arith.constant 0 : index
    %swap3A_197 = arith.constant 0 : index
    %swap3A_198 = vector.load %arg8[%swap3A_195, %swap3A_196, %swap3A_197] : memref<14x1536x128xf32, #tpu.memory_space<vmem>>, vector<1x1536x128xf32>
    %swap3A_199 = vector.shape_cast %swap3A_198 : vector<1x1536x128xf32> to vector<1536x128xf32>
    %swap3A_200 = vector.shape_cast %add3A_194 : vector<1536x128xf32> to vector<1x1536x128xf32>
    tpu.vector_store %arg8[%swap3A_195, %swap3A_196, %swap3A_197], %swap3A_200 {strides = array<i32>} : memref<14x1536x128xf32, #tpu.memory_space<vmem>>, vector<1x1536x128xf32>,
    %get3A_201 = arith.constant 8 : index
    %get3A_202 = arith.constant 0 : index
    %get3A_203 = arith.constant 0 : index
    %get3A_204 = vector.load %arg6[%get3A_201, %get3A_202, %get3A_203] : memref<14x64x128xf32, #tpu.memory_space<vmem>>, vector<1x64x128xf32>
    %get3A_205 = vector.shape_cast %get3A_204 : vector<1x64x128xf32> to vector<64x128xf32>
    %dot_general3A_206 = arith.constant dense<0.000000e+00> : vector<1536x128xf32>
    %dot_general3A_207 = tpu.matmul %select_n3A, %get3A_205, %dot_general3A_206 {dimension_numbers = #tpu.dot_dimension_numbers<[1], [0], [0], [1], [0, 0, 1, 1], [], []>, transpose_lhs_hint = false} : vector<1536x64xf32>, vector<64x128xf32>, vector<1536x128xf32> -> vector<1536x128xf32>
    %get3A_208 = arith.constant 8 : index
    %get3A_209 = arith.constant 0 : index
    %get3A_210 = arith.constant 0 : index
    %get3A_211 = vector.load %arg7[%get3A_208, %get3A_209, %get3A_210] : memref<14x1x128xf32, #tpu.memory_space<vmem>>, vector<1x1x128xf32>
    %get3A_212 = vector.shape_cast %get3A_211 : vector<1x1x128xf32> to vector<1x128xf32>
    %add3A_213 = vector.broadcast %get3A_212 : vector<1x128xf32> to vector<1536x128xf32>
    %add3A_214 = arith.addf %dot_general3A_207, %add3A_213 : vector<1536x128xf32>
    %swap3A_215 = arith.constant 8 : index
    %swap3A_216 = arith.constant 0 : index
    %swap3A_217 = arith.constant 0 : index
    %swap3A_218 = vector.load %arg8[%swap3A_215, %swap3A_216, %swap3A_217] : memref<14x1536x128xf32, #tpu.memory_space<vmem>>, vector<1x1536x128xf32>
    %swap3A_219 = vector.shape_cast %swap3A_218 : vector<1x1536x128xf32> to vector<1536x128xf32>
    %swap3A_220 = vector.shape_cast %add3A_214 : vector<1536x128xf32> to vector<1x1536x128xf32>
    tpu.vector_store %arg8[%swap3A_215, %swap3A_216, %swap3A_217], %swap3A_220 {strides = array<i32>} : memref<14x1536x128xf32, #tpu.memory_space<vmem>>, vector<1x1536x128xf32>,
    %get3A_221 = arith.constant 9 : index
    %get3A_222 = arith.constant 0 : index
    %get3A_223 = arith.constant 0 : index
    %get3A_224 = vector.load %arg6[%get3A_221, %get3A_222, %get3A_223] : memref<14x64x128xf32, #tpu.memory_space<vmem>>, vector<1x64x128xf32>
    %get3A_225 = vector.shape_cast %get3A_224 : vector<1x64x128xf32> to vector<64x128xf32>
    %dot_general3A_226 = arith.constant dense<0.000000e+00> : vector<1536x128xf32>
    %dot_general3A_227 = tpu.matmul %select_n3A, %get3A_225, %dot_general3A_226 {dimension_numbers = #tpu.dot_dimension_numbers<[1], [0], [0], [1], [0, 0, 1, 1], [], []>, transpose_lhs_hint = false} : vector<1536x64xf32>, vector<64x128xf32>, vector<1536x128xf32> -> vector<1536x128xf32>
    %get3A_228 = arith.constant 9 : index
    %get3A_229 = arith.constant 0 : index
    %get3A_230 = arith.constant 0 : index
    %get3A_231 = vector.load %arg7[%get3A_228, %get3A_229, %get3A_230] : memref<14x1x128xf32, #tpu.memory_space<vmem>>, vector<1x1x128xf32>
    %get3A_232 = vector.shape_cast %get3A_231 : vector<1x1x128xf32> to vector<1x128xf32>
    %add3A_233 = vector.broadcast %get3A_232 : vector<1x128xf32> to vector<1536x128xf32>
    %add3A_234 = arith.addf %dot_general3A_227, %add3A_233 : vector<1536x128xf32>
    %swap3A_235 = arith.constant 9 : index
    %swap3A_236 = arith.constant 0 : index
    %swap3A_237 = arith.constant 0 : index
    %swap3A_238 = vector.load %arg8[%swap3A_235, %swap3A_236, %swap3A_237] : memref<14x1536x128xf32, #tpu.memory_space<vmem>>, vector<1x1536x128xf32>
    %swap3A_239 = vector.shape_cast %swap3A_238 : vector<1x1536x128xf32> to vector<1536x128xf32>
    %swap3A_240 = vector.shape_cast %add3A_234 : vector<1536x128xf32> to vector<1x1536x128xf32>
    tpu.vector_store %arg8[%swap3A_235, %swap3A_236, %swap3A_237], %swap3A_240 {strides = array<i32>} : memref<14x1536x128xf32, #tpu.memory_space<vmem>>, vector<1x1536x128xf32>,
    %get3A_241 = arith.constant 10 : index
    %get3A_242 = arith.constant 0 : index
    %get3A_243 = arith.constant 0 : index
    %get3A_244 = vector.load %arg6[%get3A_241, %get3A_242, %get3A_243] : memref<14x64x128xf32, #tpu.memory_space<vmem>>, vector<1x64x128xf32>
    %get3A_245 = vector.shape_cast %get3A_244 : vector<1x64x128xf32> to vector<64x128xf32>
    %dot_general3A_246 = arith.constant dense<0.000000e+00> : vector<1536x128xf32>
    %dot_general3A_247 = tpu.matmul %select_n3A, %get3A_245, %dot_general3A_246 {dimension_numbers = #tpu.dot_dimension_numbers<[1], [0], [0], [1], [0, 0, 1, 1], [], []>, transpose_lhs_hint = false} : vector<1536x64xf32>, vector<64x128xf32>, vector<1536x128xf32> -> vector<1536x128xf32>
    %get3A_248 = arith.constant 10 : index
    %get3A_249 = arith.constant 0 : index
    %get3A_250 = arith.constant 0 : index
    %get3A_251 = vector.load %arg7[%get3A_248, %get3A_249, %get3A_250] : memref<14x1x128xf32, #tpu.memory_space<vmem>>, vector<1x1x128xf32>
    %get3A_252 = vector.shape_cast %get3A_251 : vector<1x1x128xf32> to vector<1x128xf32>
    %add3A_253 = vector.broadcast %get3A_252 : vector<1x128xf32> to vector<1536x128xf32>
    %add3A_254 = arith.addf %dot_general3A_247, %add3A_253 : vector<1536x128xf32>
    %swap3A_255 = arith.constant 10 : index
    %swap3A_256 = arith.constant 0 : index
    %swap3A_257 = arith.constant 0 : index
    %swap3A_258 = vector.load %arg8[%swap3A_255, %swap3A_256, %swap3A_257] : memref<14x1536x128xf32, #tpu.memory_space<vmem>>, vector<1x1536x128xf32>
    %swap3A_259 = vector.shape_cast %swap3A_258 : vector<1x1536x128xf32> to vector<1536x128xf32>
    %swap3A_260 = vector.shape_cast %add3A_254 : vector<1536x128xf32> to vector<1x1536x128xf32>
    tpu.vector_store %arg8[%swap3A_255, %swap3A_256, %swap3A_257], %swap3A_260 {strides = array<i32>} : memref<14x1536x128xf32, #tpu.memory_space<vmem>>, vector<1x1536x128xf32>,
    %get3A_261 = arith.constant 11 : index
    %get3A_262 = arith.constant 0 : index
    %get3A_263 = arith.constant 0 : index
    %get3A_264 = vector.load %arg6[%get3A_261, %get3A_262, %get3A_263] : memref<14x64x128xf32, #tpu.memory_space<vmem>>, vector<1x64x128xf32>
    %get3A_265 = vector.shape_cast %get3A_264 : vector<1x64x128xf32> to vector<64x128xf32>
    %dot_general3A_266 = arith.constant dense<0.000000e+00> : vector<1536x128xf32>
    %dot_general3A_267 = tpu.matmul %select_n3A, %get3A_265, %dot_general3A_266 {dimension_numbers = #tpu.dot_dimension_numbers<[1], [0], [0], [1], [0, 0, 1, 1], [], []>, transpose_lhs_hint = false} : vector<1536x64xf32>, vector<64x128xf32>, vector<1536x128xf32> -> vector<1536x128xf32>
    %get3A_268 = arith.constant 11 : index
    %get3A_269 = arith.constant 0 : index
    %get3A_270 = arith.constant 0 : index
    %get3A_271 = vector.load %arg7[%get3A_268, %get3A_269, %get3A_270] : memref<14x1x128xf32, #tpu.memory_space<vmem>>, vector<1x1x128xf32>
    %get3A_272 = vector.shape_cast %get3A_271 : vector<1x1x128xf32> to vector<1x128xf32>
    %add3A_273 = vector.broadcast %get3A_272 : vector<1x128xf32> to vector<1536x128xf32>
    %add3A_274 = arith.addf %dot_general3A_267, %add3A_273 : vector<1536x128xf32>
    %swap3A_275 = arith.constant 11 : index
    %swap3A_276 = arith.constant 0 : index
    %swap3A_277 = arith.constant 0 : index
    %swap3A_278 = vector.load %arg8[%swap3A_275, %swap3A_276, %swap3A_277] : memref<14x1536x128xf32, #tpu.memory_space<vmem>>, vector<1x1536x128xf32>
    %swap3A_279 = vector.shape_cast %swap3A_278 : vector<1x1536x128xf32> to vector<1536x128xf32>
    %swap3A_280 = vector.shape_cast %add3A_274 : vector<1536x128xf32> to vector<1x1536x128xf32>
    tpu.vector_store %arg8[%swap3A_275, %swap3A_276, %swap3A_277], %swap3A_280 {strides = array<i32>} : memref<14x1536x128xf32, #tpu.memory_space<vmem>>, vector<1x1536x128xf32>,
    %get3A_281 = arith.constant 12 : index
    %get3A_282 = arith.constant 0 : index
    %get3A_283 = arith.constant 0 : index
    %get3A_284 = vector.load %arg6[%get3A_281, %get3A_282, %get3A_283] : memref<14x64x128xf32, #tpu.memory_space<vmem>>, vector<1x64x128xf32>
    %get3A_285 = vector.shape_cast %get3A_284 : vector<1x64x128xf32> to vector<64x128xf32>
    %dot_general3A_286 = arith.constant dense<0.000000e+00> : vector<1536x128xf32>
    %dot_general3A_287 = tpu.matmul %select_n3A, %get3A_285, %dot_general3A_286 {dimension_numbers = #tpu.dot_dimension_numbers<[1], [0], [0], [1], [0, 0, 1, 1], [], []>, transpose_lhs_hint = false} : vector<1536x64xf32>, vector<64x128xf32>, vector<1536x128xf32> -> vector<1536x128xf32>
    %get3A_288 = arith.constant 12 : index
    %get3A_289 = arith.constant 0 : index
    %get3A_290 = arith.constant 0 : index
    %get3A_291 = vector.load %arg7[%get3A_288, %get3A_289, %get3A_290] : memref<14x1x128xf32, #tpu.memory_space<vmem>>, vector<1x1x128xf32>
    %get3A_292 = vector.shape_cast %get3A_291 : vector<1x1x128xf32> to vector<1x128xf32>
    %add3A_293 = vector.broadcast %get3A_292 : vector<1x128xf32> to vector<1536x128xf32>
    %add3A_294 = arith.addf %dot_general3A_287, %add3A_293 : vector<1536x128xf32>
    %swap3A_295 = arith.constant 12 : index
    %swap3A_296 = arith.constant 0 : index
    %swap3A_297 = arith.constant 0 : index
    %swap3A_298 = vector.load %arg8[%swap3A_295, %swap3A_296, %swap3A_297] : memref<14x1536x128xf32, #tpu.memory_space<vmem>>, vector<1x1536x128xf32>
    %swap3A_299 = vector.shape_cast %swap3A_298 : vector<1x1536x128xf32> to vector<1536x128xf32>
    %swap3A_300 = vector.shape_cast %add3A_294 : vector<1536x128xf32> to vector<1x1536x128xf32>
    tpu.vector_store %arg8[%swap3A_295, %swap3A_296, %swap3A_297], %swap3A_300 {strides = array<i32>} : memref<14x1536x128xf32, #tpu.memory_space<vmem>>, vector<1x1536x128xf32>,
    %get3A_301 = arith.constant 13 : index
    %get3A_302 = arith.constant 0 : index
    %get3A_303 = arith.constant 0 : index
    %get3A_304 = vector.load %arg6[%get3A_301, %get3A_302, %get3A_303] : memref<14x64x128xf32, #tpu.memory_space<vmem>>, vector<1x64x128xf32>
    %get3A_305 = vector.shape_cast %get3A_304 : vector<1x64x128xf32> to vector<64x128xf32>
    %dot_general3A_306 = arith.constant dense<0.000000e+00> : vector<1536x128xf32>
    %dot_general3A_307 = tpu.matmul %select_n3A, %get3A_305, %dot_general3A_306 {dimension_numbers = #tpu.dot_dimension_numbers<[1], [0], [0], [1], [0, 0, 1, 1], [], []>, transpose_lhs_hint = false} : vector<1536x64xf32>, vector<64x128xf32>, vector<1536x128xf32> -> vector<1536x128xf32>
    %get3A_308 = arith.constant 13 : index
    %get3A_309 = arith.constant 0 : index
    %get3A_310 = arith.constant 0 : index
    %get3A_311 = vector.load %arg7[%get3A_308, %get3A_309, %get3A_310] : memref<14x1x128xf32, #tpu.memory_space<vmem>>, vector<1x1x128xf32>
    %get3A_312 = vector.shape_cast %get3A_311 : vector<1x1x128xf32> to vector<1x128xf32>
    %add3A_313 = vector.broadcast %get3A_312 : vector<1x128xf32> to vector<1536x128xf32>
    %add3A_314 = arith.addf %dot_general3A_307, %add3A_313 : vector<1536x128xf32>
    %swap3A_315 = arith.constant 13 : index
    %swap3A_316 = arith.constant 0 : index
    %swap3A_317 = arith.constant 0 : index
    %swap3A_318 = vector.load %arg8[%swap3A_315, %swap3A_316, %swap3A_317] : memref<14x1536x128xf32, #tpu.memory_space<vmem>>, vector<1x1536x128xf32>
    %swap3A_319 = vector.shape_cast %swap3A_318 : vector<1x1536x128xf32> to vector<1536x128xf32>
    %swap3A_320 = vector.shape_cast %add3A_314 : vector<1536x128xf32> to vector<1x1536x128xf32>
    tpu.vector_store %arg8[%swap3A_315, %swap3A_316, %swap3A_317], %swap3A_320 {strides = array<i32>} : memref<14x1536x128xf32, #tpu.memory_space<vmem>>, vector<1x1536x128xf32>,
    return
  }
  func.func @transform_0(%arg0: i32) -> (i32, i32) {
    %c0_i32 = arith.constant 0 : i32
    %c0_i32_0 = arith.constant 0 : i32
    return %arg0, %c0_i32 : i32, i32
  }
  func.func @transform_1(%arg0: i32) -> (i32, i32) {
    %c0_i32 = arith.constant 0 : i32
    %c0_i32_0 = arith.constant 0 : i32
    return %arg0, %c0_i32 : i32, i32
  }
  func.func @transform_2(%arg0: i32) -> (i32, i32) {
    %c0_i32 = arith.constant 0 : i32
    %c0_i32_0 = arith.constant 0 : i32
    %c0_i32_1 = arith.constant 0 : i32
    return %c0_i32, %c0_i32_0 : i32, i32
  }
  func.func @transform_3(%arg0: i32) -> (i32, i32) {
    %c0_i32 = arith.constant 0 : i32
    %c0_i32_0 = arith.constant 0 : i32
    %c0_i32_1 = arith.constant 0 : i32
    return %c0_i32, %c0_i32_0 : i32, i32
  }
  func.func @transform_4(%arg0: i32) -> (i32, i32) {
    %c0_i32 = arith.constant 0 : i32
    %c0_i32_0 = arith.constant 0 : i32
    %c0_i32_1 = arith.constant 0 : i32
    return %c0_i32, %c0_i32_0 : i32, i32
  }
  func.func @transform_5(%arg0: i32) -> (i32, i32, i32) {
    %c0_i32 = arith.constant 0 : i32
    %c0_i32_0 = arith.constant 0 : i32
    %c0_i32_1 = arith.constant 0 : i32
    %c0_i32_2 = arith.constant 0 : i32
    return %c0_i32, %c0_i32_0, %c0_i32_1 : i32, i32, i32
  }
  func.func @transform_6(%arg0: i32) -> (i32, i32, i32) {
    %c0_i32 = arith.constant 0 : i32
    %c0_i32_0 = arith.constant 0 : i32
    %c0_i32_1 = arith.constant 0 : i32
    %c0_i32_2 = arith.constant 0 : i32
    return %c0_i32, %c0_i32_0, %c0_i32_1 : i32, i32, i32
  }
  func.func @transform_7(%arg0: i32) -> (i32, i32, i32) {
    %c0_i32 = arith.constant 0 : i32
    %c0_i32_0 = arith.constant 0 : i32
    %c0_i32_1 = arith.constant 0 : i32
    return %c0_i32, %arg0, %c0_i32_0 : i32, i32, i32
  }
}

module attributes {stable_mosaic.version = 14 : i64} {
  func.func @_combine_kernel(%arg0: i32, %arg1: memref<3072x128xf32, #tpu.memory_space<vmem>>, %arg2: memref<3072x128xf32, #tpu.memory_space<vmem>>, %arg3: memref<3072x128xf32, #tpu.memory_space<vmem>>, %arg4: memref<3072x64xf32, #tpu.memory_space<vmem>>) attributes {dimension_semantics = [#tpu.dimension_semantics<arbitrary>], iteration_bounds = array<i64: 33>, scalar_prefetch = 0 : i64, scratch_operands = 0 : i64, tpu.core_type = #tpu.core_type<tc>, window_params = [{transform_indices = @transform_0, window_bounds = array<i64: 3072, 128>}, {transform_indices = @transform_1, window_bounds = array<i64: 3072, 128>}, {transform_indices = @transform_2, window_bounds = array<i64: 3072, 128>}, {transform_indices = @transform_3, window_bounds = array<i64: 3072, 64>}]} {
    %get3A = arith.constant 0 : index
    %get3A_0 = arith.constant 0 : index
    %get3A_1 = vector.load %arg1[%get3A, %get3A_0] : memref<3072x128xf32, #tpu.memory_space<vmem>>, vector<3072x64xf32>
    %get3A_2 = arith.constant 0 : index
    %get3A_3 = arith.constant 64 : index
    %get3A_4 = vector.load %arg2[%get3A_2, %get3A_3] : memref<3072x128xf32, #tpu.memory_space<vmem>>, vector<3072x64xf32>
    %add3A = arith.addf %get3A_1, %get3A_4 : vector<3072x64xf32>
    %get3A_5 = arith.constant 0 : index
    %get3A_6 = arith.constant 0 : index
    %get3A_7 = vector.load %arg3[%get3A_5, %get3A_6] : memref<3072x128xf32, #tpu.memory_space<vmem>>, vector<3072x64xf32>
    %add3A_8 = arith.addf %add3A, %get3A_7 : vector<3072x64xf32>
    %swap3A = arith.constant 0 : index
    %swap3A_9 = arith.constant 0 : index
    %swap3A_10 = vector.load %arg4[%swap3A, %swap3A_9] : memref<3072x64xf32, #tpu.memory_space<vmem>>, vector<3072x64xf32>
    tpu.vector_store %arg4[%swap3A, %swap3A_9], %add3A_8 {strides = array<i32>} : memref<3072x64xf32, #tpu.memory_space<vmem>>, vector<3072x64xf32>,
    return
  }
  func.func @transform_0(%arg0: i32) -> (i32, i32) {
    %c0_i32 = arith.constant 0 : i32
    %c0_i32_0 = arith.constant 0 : i32
    return %arg0, %c0_i32 : i32, i32
  }
  func.func @transform_1(%arg0: i32) -> (i32, i32) {
    %c0_i32 = arith.constant 0 : i32
    %c0_i32_0 = arith.constant 0 : i32
    return %arg0, %c0_i32 : i32, i32
  }
  func.func @transform_2(%arg0: i32) -> (i32, i32) {
    %c0_i32 = arith.constant 0 : i32
    %c0_i32_0 = arith.constant 0 : i32
    return %arg0, %c0_i32 : i32, i32
  }
  func.func @transform_3(%arg0: i32) -> (i32, i32) {
    %c0_i32 = arith.constant 0 : i32
    %c0_i32_0 = arith.constant 0 : i32
    return %arg0, %c0_i32 : i32, i32
  }
}

</mosaic_0001>

<sc_bundles>
// kernel: kernel.10.cloned.1.call-start
scs
__scs_entry_jumppad:
0x0: {  	(pc) =	sbr.rel $0x88, $3  }
0x1: {  	(tag) =	ssettag $0x0;
	lr =	simm.s32 $0x1  }
0x2: {  	[smem:$0x3F97] =	sst lr;
	_ =	strace $0xD0000000  }
0x3: {  	_ = 	snop  }
0x4: {  	_ = 	snop  }
0x5: {  	_ = 	snop  }
0x6: {  	_ = 	snop  }
0x7: {  	_ = 	snop  }
__scs_overlays_trampoline_lowered:
0x8: {  	[smem:$0x3FA6] =	sst s0  }
0x9: {  	[smem:$0x3FA7] =	sst s1  }
0xa: {  	[smem:$0x3FA8] =	sst s2  }
0xb: {  	[smem:$0x3FA9] =	sst s3  }
0xc: {  	[smem:$0x3FAA] =	sst s4  }
0xd: {  	[smem:$0x3FAB] =	sst s5  }
0xe: {  	[smem:$0x3FAC] =	sst s6  }
0xf: {  	[smem:$0x3FAD] =	sst s7  }
0x10: {  	[smem:$0x3FAE] =	sst s8  }
0x11: {  	[smem:$0x3FAF] =	sst s9;
	s0 =	simm.s32 @!p0 $0x0  }
0x12: {  	s1 =	sld [smem:$0x3F95];
	s0 =	simm.s32 @p0 $0x1  }
0x13: {  	[smem:$0x3FB0] =	sst s0;
	s0 =	simm.s32 @!p1 $0x0  }
0x14: {  	s2 =	sld [smem:$0x3F94];
	s0 =	simm.s32 @p1 $0x1  }
0x15: {  	[smem:$0x3FB1] =	sst s0;
	s0 =	simm.s32 @!p2 $0x0  }
0x16: {  	s3 =	sld [smem:$0x3FDB];
	s0 =	simm.s32 @p2 $0x1  }
0x17: {  	s4 =	simm.s32 $0x1BF5;
	[smem:$0x3FB3] =	sst s0  }
0x18: {  	s0 =	sld [smem:$0x3F96];
	_ =	swait.ge [sflag:s4], $0x0  }
0x19: {  	s7 =	sld [smem:$0x3F97]  }
0x1a: {  	s8 =	sadd.s32 $0xFFFFE003, lr  }
0x1b: {  	s9 =	sadd.s32 $0xFFFFFEF7, lr;
	s5 =	simm.s32 $0xFFFFFFFF;
	p2 =	slt.u32 s8, $0xFFFFF086  }
0x1c: {  	p1 =	slt.u32 s9, $0xF7A;
	s5 =	simm.s32 @!p2 $0x0  }
0x1d: {  	s5 =	simm.s32 @p1 $0x1;
	p0 =	seq.s32 s7, s2  }
0x1e: {  	s7 =	smul.u32 @!p0 $0xF7A, s2;
	p2 =	seq.s32 @!p0 s5, $0x0  }
0x1f: {  	s9 =	smul.u32 $0xF7A, s1;
	s8 =	simm.s32 @!p0 $0x1BF5;
	p2 =	por !p2, p0  }
0x20: {  	[sflag:s8] =	ssyncset.s32 @!p0 $0xFFFFF086;
	s6 =	sadd.s32 @!p0 s3, s7;
	s7 =	simm.s32 @!p0 $0x108  }
0x21: {  	s3 =	sadd.s32 s3, s9;
	s6 =	sadd.s32 @!p0 $0x88, s6;
	s7 =	simm.s32 @p2 $0x1082  }
0x22: {  	[simem:s7], [sflag:s8] =	dma.local @!p0 [hbm:s6], $0xF7A  }
0x23: {  	s9 =	sor.u32 $0xD0000000, s2;
	s6 =	simm.s32 $0x108;
	_ =	swait.ge @!p0 [sflag:s8], $0x0  }
0x24: {  	s3 =	sadd.s32 $0x88, s3;
	s6 =	simm.s32 @!p1 $0x1082;
	[sflag:s4] =	ssyncset.s32 $0xFFFFF086  }
0x25: {  	[simem:s6], [sflag:s4] =	dma.local [hbm:s3], $0xF7A  }
0x26: {  	[smem:$0x3F97] =	sst s1;
	(tag) =	ssettag s2;
	_ =	strace s9  }
0x27: {  	s1 =	sld [smem:$0x3FA7]  }
0x28: {  	s2 =	sld [smem:$0x3FA8]  }
0x29: {  	s4 =	sld [smem:$0x3FAA]  }
0x2a: {  	p0 =	seq.s32 s5, $0x0;
	s5 =	sld [smem:$0x3FAB]  }
0x2b: {  	s6 =	sld [smem:$0x3FAC]  }
0x2c: {  	s7 =	sld [smem:$0x3FAD]  }
0x2d: {  	s3 =	simm.s32 $0x108;
	s8 =	sld [smem:$0x3FAE]  }
0x2e: {  	s3 =	simm.s32 @!p0 $0x1082;
	s9 =	sld [smem:$0x3FAF]  }
0x2f: {  	lr =	sadd.s32 s0, s3;
	s0 =	sld [smem:$0x3FA6]  }
0x30: {  	s3 =	sld [smem:$0x3FA9]  }
0x31: {  	[smem:$0x3FB2] =	sst s10  }
0x32: {  	s10 =	sld [smem:$0x3FB0];
	_ =	sdelay $0x3  }
0x33: {  	p0 =	seq.s32 s10, $0x1;
	s10 =	sld [smem:$0x3FB2];
	_ =	sdelay $0x3  }
0x34: {  	[smem:$0x3FB2] =	sst s10  }
0x35: {  	s10 =	sld [smem:$0x3FB1];
	_ =	sdelay $0x3  }
0x36: {  	p1 =	seq.s32 s10, $0x1;
	s10 =	sld [smem:$0x3FB2];
	_ =	sdelay $0x3  }
0x37: {  	[smem:$0x3FB2] =	sst s10  }
0x38: {  	s10 =	sld [smem:$0x3FB3]  }
0x39: {  	_ = 	snop;
	(pc) =	sbr.ind lr, $3  }
0x3a: {  	_ = 	snop  }
0x3b: {  	_ = 	snop  }
0x3c: {  	p2 =	seq.s32 s10, $0x1;
	s10 =	sld [smem:$0x3FB2]  }
0x3d: {  	_ =	shalt  }
0x3e: {  	_ =	shalt  }
0x3f: {  	_ =	shalt  }
0x40: {  	_ =	shalt  }
0x41: {  	_ =	shalt  }
0x42: {  	_ =	shalt  }
0x43: {  	_ =	shalt  }
0x44: {  	_ =	shalt  }
0x45: {  	_ =	shalt  }
0x46: {  	_ =	shalt  }
0x47: {  	_ =	shalt  }
0x48: {  	_ =	shalt  }
0x49: {  	_ =	shalt  }
0x4a: {  	_ =	shalt  }
0x4b: {  	_ =	shalt  }
0x4c: {  	_ =	shalt  }
0x4d: {  	_ =	shalt  }
0x4e: {  	_ =	shalt  }
0x4f: {  	_ =	shalt  }
0x50: {  	_ =	shalt  }
0x51: {  	_ =	shalt  }
0x52: {  	_ =	shalt  }
0x53: {  	_ =	shalt  }
0x54: {  	_ =	shalt  }
0x55: {  	_ =	shalt  }
0x56: {  	_ =	shalt  }
0x57: {  	_ =	shalt  }
0x58: {  	_ =	shalt  }
0x59: {  	_ =	shalt  }
0x5a: {  	_ =	shalt  }
0x5b: {  	_ =	shalt  }
0x5c: {  	_ =	shalt  }
0x5d: {  	_ =	shalt  }
0x5e: {  	_ =	shalt  }
0x5f: {  	_ =	shalt  }
0x60: {  	_ =	shalt  }
0x61: {  	_ =	shalt  }
0x62: {  	_ =	shalt  }
0x63: {  	_ =	shalt  }
0x64: {  	_ =	shalt  }
0x65: {  	_ =	shalt  }
0x66: {  	_ =	shalt  }
0x67: {  	_ =	shalt  }
0x68: {  	_ =	shalt  }
0x69: {  	_ =	shalt  }
0x6a: {  	_ =	shalt  }
0x6b: {  	_ =	shalt  }
0x6c: {  	_ =	shalt  }
0x6d: {  	_ =	shalt  }
0x6e: {  	_ =	shalt  }
0x6f: {  	_ =	shalt  }
0x70: {  	_ =	shalt  }
0x71: {  	_ =	shalt  }
0x72: {  	_ =	shalt  }
0x73: {  	_ =	shalt  }
0x74: {  	_ =	shalt  }
0x75: {  	_ =	shalt  }
0x76: {  	_ =	shalt  }
0x77: {  	_ =	shalt  }
0x78: {  	_ =	shalt  }
0x79: {  	_ =	shalt  }
0x7a: {  	_ =	shalt  }
0x7b: {  	_ =	shalt  }
0x7c: {  	_ =	shalt  }
0x7d: {  	_ =	shalt  }
0x7e: {  	_ =	shalt  }
0x7f: {  	_ =	shalt  }
0x80: {  	_ =	shalt  }
0x81: {  	_ =	shalt  }
0x82: {  	_ =	shalt  }
0x83: {  	_ =	shalt  }
0x84: {  	_ =	shalt  }
0x85: {  	_ =	shalt  }
0x86: {  	_ =	shalt  }
0x87: {  	_ =	shalt  }
.Lfunc_end0:
.L_simem_size_0:
called_computation_lowered:
.L_overlay_start_0:
0x88: {  	s2 =	sld [smem:$0x3FD9]  }
0x89: {  	s3 =	sld [smem:$0x3FFE];
	_ =	sdelay $0x1  }
0x8a: {  	s1 =	srdreg.scid  }
0x8b: {  	s0 =	sand.u32 $0x1, s1  }
0x8c: {  	s17 =	sshll.u32 s0, $0xA;
	s2 =	sadd.s32 s3, s2  }
0x8d: {  	s2 =	sadd.s32 s2, s17  }
0x8e: {  	[smem:$0x3FBE] =	sst s2  }
0x8f: {  	_ = 	snop  }
0x90: {  	s2 =	sld [smem:$0x3FD0];
	(tm) =	ssettm $0x1  }
0x91: {  	s18 =	sld [smem:$0x3FFB];
	_ =	sdelay $0x3  }
0x92: {  	_ =	strace s18  }
0x93: {  	s3 =	sld [smem:$0x3FFC];
	_ =	sdelay $0x3  }
0x94: {  	_ =	strace s3  }
0x95: {  	s3 =	sld [smem:$0x3FFD];
	_ =	sdelay $0x3  }
0x96: {  	_ =	strace s3  }
0x97: {  	_ =	strace $0x8FFFFFFF  }
0x98: {  	s19 =	sld [smem:$0x3FDB];
	_ =	sdelay $0x1  }
0x99: {  	s4 =	simm.s32 $_scs_section_size  }
0x9a: {  	s5 =	simm.s32 $_size__tile_overlayer_lowered;
	s6 =	simm.s32 $_tile_overlayer_lowered  }
0x9b: {  	s22 =	simm.s32 $0x1BFF;
	s21 =	sshll.u32 s6, $0x1;
	s3 =	sadd.s32 s4, s19  }
0x9c: {  	s7 =	simm.s32 $0x0;
	s20 =	sshll.u32 s5, $0x1;
	s5 =	sadd.s32 s21, s3  }
0x9d: {  	[timem:s7], [sflag:s22] =	dma.local [hbm:s5], s20  }
0x9e: {  	_ =	swait.ge [sflag:s22], s20  }
0x9f: {  	s4 =	ssub.s32 $0x0, s20;
	[sflag:s22] =	ssyncset.done $0x0  }
0xa0: {  	[sflag:s22] =	ssyncadd.s32 s4;
	_ =	sdelay $0x1  }
0xa1: {  	s23 =	simm.s32 $0x1B8B  }
0xa2: {  	_ =	swait.ge [sflag:s23], $0x1  }
0xa3: {  	[sflag:s23] =	ssyncset.done $0x0  }
0xa4: {  	s25 =	simm.s32 $0x1B8E;
	s24 =	sld [smem:$0x3FFE];
	[sflag:s23] =	ssyncadd.s32 $0xFFFFFFFF  }
0xa5: {  	s26 =	simm.s32 $execute0_lowered;
	[smem:$0x3FD2] =	sst s25  }
0xa6: {  	s5 =	sshll.u32 s26, $0x1;
	_ =	strace $0x80000046;
	[dreg:$0x1] =	wrdreg $0xFFFFFFFF  }
0xa7: {  	s28 =	simm.s32 $_size_execute0_lowered;
	s3 =	sadd.s32 s3, s5;
	[dreg:$0x0] =	wrdreg $0x0  }
0xa8: {  	s5 =	sshll.u32 s28, $0x1;
	[dreg:$0x2] =	wrdreg s3  }
0xa9: {  	[dreg:$0x3] =	wrdreg s5  }
0xaa: {  	[dreg:$0x4] =	wrdreg $0xC0  }
0xab: {  	_ =	task [dreg:s7], $0x5FFFF  }
0xac: {  	[dreg:$0x1] =	wrdreg $0xFFFFFFFF  }
0xad: {  	[dreg:$0x0] =	wrdreg $0x60  }
0xae: {  	[dreg:$0x2] =	wrdreg s24  }
0xaf: {  	[dreg:$0x3] =	wrdreg s2  }
0xb0: {  	[dreg:$0x4] =	wrdreg $0x9  }
0xb1: {  	_ =	task.clear_ibuf [dreg:s7], $0x5FFFF;
	_ =	strace $0x90000046  }
0xb2: {  	s29 =	simm.s32 $0x9;
	_ =	strace $0x80000048  }
0xb3: {  	_ =	swait.ge [sflag:s29], $0x1  }
0xb4: {  	[sflag:s29] =	ssyncadd.s32 $0xFFFFFFFF  }
0xb5: {  	_ =	strace $0x90000048  }
0xb6: {  	_ =	sfence  }
0xb7: {  	s30 =	sld [smem:$0x0];
	_ =	sdelay $0x2  }
0xb8: {  	s31 =	sshll.u32 s1, $0xD;
	s1 =	sshrl.u32 s1, $0x2  }
0xb9: {  	s3 =	sand.u32 $0x4000, s31;
	s1 =	sadd.s32 s1, s30  }
0xba: {  	s0 =	sor.u32 s3, s0;
	s1 =	sshll.u32 s1, $0x11  }
0xbb: {  	s0 =	sor.u32 s1, s0  }
0xbc: {  	s0 =	sadd.s32 $0x8F2B, s0  }
0xbd: {  	[sflag:s0] =	ssyncadd.remote.s32 $0x1  }
0xbe: {  	_ =	sfence.sel $0xFFFF  }
0xbf: {  	[dreg:$0x0] =	wrdreg $0xFFFFFFFF;
	(pc) =	sbr.abs _section_cstart, $3  }
0xc0: {  	[dreg:$0x1] =	wrdreg $0xFFFFFFFF  }
0xc1: {  	_ =	task.clear_ibuf [dreg:s7], $0x2FFFF;
	_ =	strace $0x9FFFFFFF  }
0xc2: {  	(tm) =	ssettm $0x7FFFFFFF  }
0xc3: {  	_ =	shalt  }
tec
execute0_lowered:
.L_overlay_start_1:
0x0: {  	(tag) =	ssettag $0x1  }
0x1: {  	s0 =	srdreg.scid;
	s15 =	stileid.u32  }
0x2: {  	s0 =	sand.u32 $0x1, s0;
	s1 =	sshll.u32 s15, $0x1  }
0x3: {  	s2 =	sor.u32 s0, s1  }
0x4: {  	s5 =	smul.u32 $0x56, s2;
	_ =	sdelay $0x1  }
0x5: {  	s6 =	sshrl.u32 s5, $0x8  }
0x6: {  	s24 =	rddreg [dreg:$0x0];
	s7 =	smul.u32 $0x3, s6  }
0x7: {  	s3 =	rddreg [dreg:$0x1];
	s8 =	sor.u32 $0x100, s6  }
0x8: {  	s4 =	simm.s32 $0x0;
	s13 =	smul.u32 $0x580, s8;
	s7 =	ssub.s32 s2, s7  }
0x9: {  	[smem:$0x7FF] =	sst s4;
	s9 =	sand.u32 $0xFF, s7  }
0xa: {  	_ =	strace $0x80000047;
	s26 =	sadd.s32 s3, s13;
	s14 =	sshll.u32 s9, $0x7  }
0xb: {  	s0 =	ssub.s32 $0x2, s0;
	[dreg:$0x3] =	wrdreg s26;
	s29 =	sadd.s32 $0x300, s14  }
0xc: {  	s12 =	sshrl.u32 s0, $0x1;
	s30 =	sor.u32 $0x600, s14;
	[dreg:$0x6] =	wrdreg s29  }
0xd: {  	s10 =	smul.u32 $0xC000, s8;
	s31 =	sadd.s32 $0x900, s14;
	[dreg:$0x7] =	wrdreg s30  }
0xe: {  	s11 =	sshll.u32 s9, $0xE;
	s9 =	sadd.s32 $0xF00, s14;
	[dreg:$0x8] =	wrdreg s31  }
0xf: {  	s10 =	sadd.s32 s11, s10;
	s11 =	sor.u32 $0x1200, s14;
	[dreg:$0xa] =	wrdreg s9  }
0x10: {  	s0 =	ssub.s32 s0, s12;
	s12 =	sadd.s32 $0x1500, s14;
	[dreg:$0xb] =	wrdreg s11  }
0x11: {  	s16 =	sor.u32 $0x1800, s14;
	[dreg:$0xc] =	wrdreg s12  }
0x12: {  	s17 =	sadd.s32 $0x1B00, s14;
	[dreg:$0xd] =	wrdreg s16  }
0x13: {  	s18 =	sor.u32 $0x1E00, s14;
	[dreg:$0xe] =	wrdreg s17  }
0x14: {  	s19 =	sadd.s32 $0x2100, s14;
	[dreg:$0xf] =	wrdreg s18  }
0x15: {  	p0 =	sgt.u32 s15, $0xB;
	s20 =	sor.u32 $0x2400, s14;
	[dreg:$0x10] =	wrdreg s19  }
0x16: {  	s5 =	sadd.s32 $0x4A1A00, s24;
	s21 =	sadd.s32 $0x2700, s14;
	[dreg:$0x11] =	wrdreg s20  }
0x17: {  	s6 =	sadd.s32 $0x189A00, s24;
	s22 =	sadd.s32 $0x180, s14;
	[dreg:$0x12] =	wrdreg s21  }
0x18: {  	s8 =	sadd.s32 $0x1BD5A00, s24;
	s23 =	sadd.s32 $0x480, s14;
	[dreg:$0x13] =	wrdreg s22  }
0x19: {  	s7 =	sadd.s32 $0x1A49A00, s24;
	s24 =	sadd.s32 $0x780, s14;
	[dreg:$0x14] =	wrdreg s23  }
0x1a: {  	s13 =	smax.u32 s0, $0x1;
	s26 =	sadd.s32 $0xD80, s14;
	[dreg:$0x15] =	wrdreg s24  }
0x1b: {  	s25 =	sshrl.u32 s10, $0x3;
	[dreg:$0x17] =	wrdreg s26;
	s29 =	sadd.s32 $0x1380, s14  }
0x1c: {  	s30 =	sadd.s32 $0x1680, s14;
	s31 =	sadd.s32 $0x1980, s14;
	s16 =	sadd.s32 $0x1C80, s14  }
0x1d: {  	s17 =	sadd.s32 $0x1F80, s14;
	s18 =	sadd.s32 $0x2280, s14;
	[dreg:$0x19] =	wrdreg s29  }
0x1e: {  	s19 =	sadd.s32 $0x2580, s14;
	s20 =	simm.s32 $0x2;
	[dreg:$0x1a] =	wrdreg s30  }
0x1f: {  	s21 =	simm.s32 $0x2C00;
	s28 =	sadd.s32 s7, s25;
	[dreg:$0x1b] =	wrdreg s31  }
.Ltmp0:
0x20: {  	s1 =	sadd.s32 s8, s25;
	[dreg:$0x4] =	wrdreg s28;
	(pc) =	sbr.rel .LBB2_1-.Ltmp0, $4  }
0x21: {  	s10 =	sadd.s32 s6, s25;
	s25 =	sadd.s32 $0xA80, s14;
	[dreg:$0x5] =	wrdreg s1  }
0x22: {  	s22 =	simm.s32 $0xEC00;
	s1 =	sor.u32 $0xC00, s14;
	[dreg:$0x16] =	wrdreg s25  }
0x23: {  	s23 =	simm.s32 $0x80;
	s28 =	sadd.s32 $0x1080, s14;
	[dreg:$0x9] =	wrdreg s1  }
0x24: {  	s24 =	simm.s32 $0x1;
	s25 =	simm.s32 $0x0;
	[dreg:$0x18] =	wrdreg s28  }
.LBB2_11:
0x25: {  	s25 =	sadd.s32 $0x1, s25  }
0x26: {  	p1 =	sne.s32 s25, s13  }
.Ltmp1:
0x27: {  	_ = 	snop;
	(pc) =	sbr.rel @!p1 .LBB2_12-.Ltmp1, $1  }
0x28: {  	_ =	sdelay $0x3  }
.LBB2_1:
0x29: {  	s26 =	simm.s32 $0x0  }
.LBB2_2:
0x2a: {  	s0 =	sshll.u32 s26, $0x5  }
0x2b: {  	s0 =	sor.u32 s2, s0  }
0x2c: {  	s1 =	smul.u32 $0x580, s0;
	_ =	sdelay $0x1  }
0x2d: {  	s30 =	simm.s32 $0x0;
	s1 =	sadd.s32 s3, s1  }
0x2e: {  	[tilespmem:s30], [sflag:$0x2] =	stream.linear.gather [hbm4b:s1+s30], $0x2C00, $0x38;
	[tilespmem:$0x1AC00] =	vst v63  }
0x2f: {  	s28 =	smul.u32 $0x1800, s0;
	_ =	swait.ge [sflag:s20], $0x2C00  }
0x30: {  	[sflag:s20] =	ssyncset.done $0x0  }
0x31: {  	s0 =	sadd.s32 s6, s28;
	[sflag:s20] =	ssyncadd.s32 $0xFFFFD400  }
0x32: {  	[tilespmem:s21], [sflag:$0x2] =	stream.linear.gather [hbm4b:s0+s30], $0xC000, $0x38;
	[tilespmem:$0x1AC00] =	vst v63  }
0x33: {  	s11 =	smul.u32 $0xAB, s30;
	_ =	swait.ge [sflag:s20], $0xC000  }
0x34: {  	[sflag:s20] =	ssyncset.done $0x0  }
0x35: {  	s29 =	simm.s32 $0x1;
	s12 =	sshrl.u32 s11, $0x9;
	[sflag:s20] =	ssyncadd.s32 $0xFFFF4000  }
0x36: {  	[tilespmem:s22], [sflag:$0x2] =	stream.linear.gather [hbm4b:s0+s30], $0xC000, $0x38;
	[tilespmem:$0x1AC00] =	vst v63  }
0x37: {  	s9 =	smul.u32 $0xAB, s29;
	s0 =	sand.u32 $0x7F, s12  }
0x38: {  	s15 =	smul.u32 $0x6, s0  }
0x39: {  	s0 =	smul.u32 $0x3, s0  }
0x3a: {  	s31 =	simm.s32 $0x2;
	_ =	swait.ge [sflag:s20], $0xC000  }
0x3b: {  	s11 =	sshrl.u32 s9, $0x9;
	[sflag:s20] =	ssyncset.done $0x0;
	s0 =	ssub.s32 $0x0, s0  }
0x3c: {  	[sflag:s20] =	ssyncadd.s32 $0xFFFF4000;
	s1 =	sand.u32 $0xFE, s15;
	s12 =	sand.u32 $0xFF, s0  }
0x3d: {  	s0 =	sadd.s32 s12, s1;
	s9 =	sshll.u32 s12, $0xE;
	s1 =	simm.s32 $0x1  }
.LBB2_3:
0x3e: {  	p1 =	sne.s32 s31, $0x29;
	s11 =	sand.u32 $0x7F, s11  }
0x3f: {  	s12 =	smov.u32 s31;
	s31 =	sadd.s32 $0x1, s31;
	s15 =	smul.u32 $0x6, s11  }
0x40: {  	s9 =	sor.u32 $0x2C00, s9;
	s0 =	sshll.u32 s0, $0x7;
	s11 =	smul.u32 $0x3, s11  }
.Ltmp2:
0x41: {  	(pc) =	sbr.rel @p1 .LBB2_3-.Ltmp2, $4  }
0x42: {  	[tilespmem:s9], [sflag:$0x1] =	stream.indirect.gather.add.f32 [hbm:s5], $0x80, s0, s23, $0xb8;
	[tilespmem:$0x1AC00] =	vst v63  }
0x43: {  	s0 =	smul.u32 $0xAB, s12;
	s1 =	ssub.s32 s1, s11;
	s9 =	sand.u32 $0xFE, s15  }
0x44: {  	s15 =	sand.u32 $0xFF, s1;
	s1 =	smov.u32 s12  }
0x45: {  	s11 =	sshrl.u32 s0, $0x9;
	s0 =	sadd.s32 s15, s9;
	s9 =	sshll.u32 s15, $0xE  }
0x46: {  	s11 =	sand.u32 $0x7F, s11  }
0x47: {  	s12 =	smul.u32 $0x6, s11  }
0x48: {  	s9 =	sor.u32 $0x2C00, s9;
	s0 =	sshll.u32 s0, $0x7;
	s11 =	smul.u32 $0x3, s11  }
0x49: {  	[tilespmem:s9], [sflag:$0x1] =	stream.indirect.gather.add.f32 [hbm:s5], $0x80, s0, s23, $0xb8;
	[tilespmem:$0x1AC00] =	vst v63  }
0x4a: {  	s11 =	ssub.s32 s1, s11  }
0x4b: {  	s31 =	smul.u32 $0xAB, s30;
	s15 =	sand.u32 $0xFE, s12;
	s0 =	sand.u32 $0xFF, s11  }
0x4c: {  	s1 =	sadd.s32 s0, s15;
	s0 =	sshll.u32 s0, $0xE  }
0x4d: {  	s11 =	sshrl.u32 s31, $0x9;
	s0 =	sor.u32 $0x2C00, s0;
	s1 =	sshll.u32 s1, $0x7  }
0x4e: {  	[tilespmem:s0], [sflag:$0x1] =	stream.indirect.gather.add.f32 [hbm:s5], $0x80, s1, s23, $0xb8;
	[tilespmem:$0x1AC00] =	vst v63  }
0x4f: {  	s0 =	sand.u32 $0x7F, s11  }
0x50: {  	s12 =	smul.u32 $0x3, s0  }
0x51: {  	s15 =	smul.u32 $0x6, s0  }
0x52: {  	s30 =	smul.u32 $0xAB, s29;
	s31 =	ssub.s32 $0x0, s12  }
0x53: {  	s1 =	simm.s32 $0x2;
	s9 =	sand.u32 $0xFE, s15;
	s0 =	sand.u32 $0xFF, s31  }
.LBB2_5:
0x54: {  	s11 =	sshrl.u32 s30, $0x9  }
0x55: {  	p1 =	sne.s32 s1, $0x26;
	s9 =	sadd.s32 s9, s0;
	s11 =	sand.u32 $0x7F, s11  }
0x56: {  	s0 =	sshll.u32 s0, $0xE;
	s9 =	sshll.u32 s9, $0x7;
	s12 =	smul.u32 $0x3, s11  }
.Ltmp3:
0x57: {  	s0 =	sadd.s32 $0xEC00, s0;
	s9 =	sadd.s32 $0x180, s9;
	(pc) =	sbr.rel @p1 .LBB2_5-.Ltmp3, $4  }
0x58: {  	[tilespmem:s0], [sflag:$0x1] =	stream.indirect.gather.add.f32 [hbm:s5], $0x80, s9, s23, $0xb8;
	[tilespmem:$0x1AC00] =	vst v63  }
0x59: {  	s9 =	smul.u32 $0x6, s11  }
0x5a: {  	s30 =	smul.u32 $0xAB, s1;
	s0 =	ssub.s32 s29, s12;
	s29 =	smov.u32 s1  }
0x5b: {  	s1 =	sadd.s32 $0x1, s1;
	s0 =	sand.u32 $0xFF, s0;
	s9 =	sand.u32 $0xFE, s9  }
0x5c: {  	s1 =	sshrl.u32 s30, $0x9  }
0x5d: {  	s9 =	sadd.s32 s9, s0;
	s1 =	sand.u32 $0x7F, s1  }
0x5e: {  	s15 =	sshll.u32 s0, $0xE;
	s9 =	sshll.u32 s9, $0x7;
	s11 =	smul.u32 $0x3, s1  }
0x5f: {  	s0 =	sadd.s32 $0xEC00, s15;
	s9 =	sadd.s32 $0x180, s9;
	s30 =	smul.u32 $0x6, s1  }
0x60: {  	[tilespmem:s0], [sflag:$0x1] =	stream.indirect.gather.add.f32 [hbm:s5], $0x80, s9, s23, $0xb8;
	[tilespmem:$0x1AC00] =	vst v63  }
0x61: {  	s31 =	ssub.s32 s29, s11  }
0x62: {  	s0 =	sand.u32 $0xFE, s30;
	s1 =	sand.u32 $0xFF, s31  }
0x63: {  	s0 =	sadd.s32 s0, s1  }
0x64: {  	s1 =	sshll.u32 s1, $0xE;
	s0 =	sshll.u32 s0, $0x7  }
0x65: {  	s1 =	sadd.s32 $0xEC00, s1;
	s0 =	sadd.s32 $0x180, s0  }
0x66: {  	[tilespmem:s1], [sflag:$0x1] =	stream.indirect.gather.add.f32 [hbm:s5], $0x80, s0, s23, $0xb8;
	[tilespmem:$0x1AC00] =	vst v63  }
0x67: {  	_ =	swait.ge [sflag:s24], $0x4000  }
0x68: {  	s0 =	simm.s32 $0x50;
	[sflag:s24] =	ssyncset.done $0x0  }
.LBB2_7:
0x69: {  	p1 =	sne.s32 s0, $0x1;
	s0 =	sadd.s32 $0xFFFFFFFF, s0;
	[sflag:s24] =	ssyncadd.s32 $0xFFFFC000  }
.Ltmp4:
0x6a: {  	(pc) =	sbr.rel @p1 .LBB2_7-.Ltmp4, $3  }
0x6b: {  	_ =	sdelay $0x1  }
0x6c: {  	_ =	swait.ge [sflag:s24], $0x4000  }
0x6d: {  	[sflag:s24] =	ssyncset.done $0x0  }
0x6e: {  	[sflag:s24] =	ssyncadd.s32 $0xFFFFC000;
	s0 =	sadd.s32 s7, s28  }
0x6f: {  	[hbm4b:s0+s4] =	stream.linear.scatter [tilespmem:s21], [sflag:$0x2], $0xC000, $0x38;
	[tilespmem:$0x1AC00] =	vst v63  }
0x70: {  	s26 =	sadd.s32 $0x1, s26;
	_ =	swait.ge [sflag:s20], $0xC000  }
0x71: {  	p1 =	sne.s32 s26, $0x8;
	[sflag:s20] =	ssyncset.done $0x0  }
.Ltmp5:
0x72: {  	s31 =	sadd.s32 s8, s28;
	[sflag:s20] =	ssyncadd.s32 $0xFFFF4000;
	(pc) =	sbr.rel @p1 .LBB2_2-.Ltmp5, $4  }
0x73: {  	[hbm4b:s31+s4] =	stream.linear.scatter [tilespmem:s22], [sflag:$0x2], $0xC000, $0x38;
	[tilespmem:$0x1AC00] =	vst v63  }
0x74: {  	_ =	swait.ge [sflag:s20], $0xC000  }
0x75: {  	[sflag:s20] =	ssyncset.done $0x0  }
0x76: {  	[sflag:s20] =	ssyncadd.s32 $0xFFFF4000  }
.Ltmp6:
0x77: {  	(pc) =	sbr.rel @p0 .LBB2_11-.Ltmp6, $1  }
0x78: {  	_ =	sdelay $0x3  }
0x79: {  	s0 =	rddreg [dreg:$0x3]  }
0x7a: {  	[tilespmem:s4], [sflag:$0x2] =	stream.linear.gather [hbm4b:s0+s4], $0x2C00, $0x38;
	[tilespmem:$0x1AC00] =	vst v63  }
0x7b: {  	_ =	swait.ge [sflag:s20], $0x2C00  }
0x7c: {  	[sflag:s20] =	ssyncset.done $0x0  }
0x7d: {  	[sflag:s20] =	ssyncadd.s32 $0xFFFFD400  }
0x7e: {  	[tilespmem:s21], [sflag:$0x2] =	stream.linear.gather [hbm4b:s10+s4], $0x4000, $0x38;
	[tilespmem:$0x1AC00] =	vst v63  }
0x7f: {  	_ =	swait.ge [sflag:s20], $0x4000  }
0x80: {  	[sflag:s20] =	ssyncset.done $0x0  }
0x81: {  	[sflag:s20] =	ssyncadd.s32 $0xFFFFC000  }
0x82: {  	[tilespmem:s22], [sflag:$0x2] =	stream.linear.gather [hbm4b:s10+s4], $0x4000, $0x38;
	[tilespmem:$0x1AC00] =	vst v63  }
0x83: {  	_ =	swait.ge [sflag:s20], $0x4000  }
0x84: {  	[sflag:s20] =	ssyncset.done $0x0  }
0x85: {  	[sflag:s20] =	ssyncadd.s32 $0xFFFFC000  }
0x86: {  	[tilespmem:s21], [sflag:$0x1] =	stream.indirect.gather.add.f32 [hbm:s5], $0x80, s14, s23, $0xb8;
	[tilespmem:$0x1AC00] =	vst v63  }
0x87: {  	s28 =	rddreg [dreg:$0x6]  }
0x88: {  	[tilespmem:s21], [sflag:$0x1] =	stream.indirect.gather.add.f32 [hbm:s5], $0x80, s28, s23, $0xb8;
	[tilespmem:$0x1AC00] =	vst v63  }
0x89: {  	s29 =	rddreg [dreg:$0x7]  }
0x8a: {  	[tilespmem:s21], [sflag:$0x1] =	stream.indirect.gather.add.f32 [hbm:s5], $0x80, s29, s23, $0xb8;
	[tilespmem:$0x1AC00] =	vst v63  }
0x8b: {  	s30 =	rddreg [dreg:$0x8]  }
0x8c: {  	[tilespmem:s21], [sflag:$0x1] =	stream.indirect.gather.add.f32 [hbm:s5], $0x80, s30, s23, $0xb8;
	[tilespmem:$0x1AC00] =	vst v63  }
0x8d: {  	s31 =	rddreg [dreg:$0x9]  }
0x8e: {  	[tilespmem:s21], [sflag:$0x1] =	stream.indirect.gather.add.f32 [hbm:s5], $0x80, s31, s23, $0xb8;
	[tilespmem:$0x1AC00] =	vst v63  }
0x8f: {  	s1 =	rddreg [dreg:$0xa]  }
0x90: {  	[tilespmem:s21], [sflag:$0x1] =	stream.indirect.gather.add.f32 [hbm:s5], $0x80, s1, s23, $0xb8;
	[tilespmem:$0x1AC00] =	vst v63  }
0x91: {  	s9 =	rddreg [dreg:$0xb]  }
0x92: {  	[tilespmem:s21], [sflag:$0x1] =	stream.indirect.gather.add.f32 [hbm:s5], $0x80, s9, s23, $0xb8;
	[tilespmem:$0x1AC00] =	vst v63  }
0x93: {  	s11 =	rddreg [dreg:$0xc]  }
0x94: {  	[tilespmem:s21], [sflag:$0x1] =	stream.indirect.gather.add.f32 [hbm:s5], $0x80, s11, s23, $0xb8;
	[tilespmem:$0x1AC00] =	vst v63  }
0x95: {  	s12 =	rddreg [dreg:$0xd]  }
0x96: {  	[tilespmem:s21], [sflag:$0x1] =	stream.indirect.gather.add.f32 [hbm:s5], $0x80, s12, s23, $0xb8;
	[tilespmem:$0x1AC00] =	vst v63  }
0x97: {  	s15 =	rddreg [dreg:$0xe]  }
0x98: {  	[tilespmem:s21], [sflag:$0x1] =	stream.indirect.gather.add.f32 [hbm:s5], $0x80, s15, s23, $0xb8;
	[tilespmem:$0x1AC00] =	vst v63  }
0x99: {  	s26 =	rddreg [dreg:$0xf]  }
0x9a: {  	[tilespmem:s21], [sflag:$0x1] =	stream.indirect.gather.add.f32 [hbm:s5], $0x80, s26, s23, $0xb8;
	[tilespmem:$0x1AC00] =	vst v63  }
0x9b: {  	s28 =	rddreg [dreg:$0x10]  }
0x9c: {  	[tilespmem:s21], [sflag:$0x1] =	stream.indirect.gather.add.f32 [hbm:s5], $0x80, s28, s23, $0xb8;
	[tilespmem:$0x1AC00] =	vst v63  }
0x9d: {  	s29 =	rddreg [dreg:$0x11]  }
0x9e: {  	[tilespmem:s21], [sflag:$0x1] =	stream.indirect.gather.add.f32 [hbm:s5], $0x80, s29, s23, $0xb8;
	[tilespmem:$0x1AC00] =	vst v63  }
0x9f: {  	s30 =	rddreg [dreg:$0x12]  }
0xa0: {  	[tilespmem:s21], [sflag:$0x1] =	stream.indirect.gather.add.f32 [hbm:s5], $0x80, s30, s23, $0xb8;
	[tilespmem:$0x1AC00] =	vst v63  }
0xa1: {  	s31 =	rddreg [dreg:$0x13]  }
0xa2: {  	[tilespmem:s22], [sflag:$0x1] =	stream.indirect.gather.add.f32 [hbm:s5], $0x80, s31, s23, $0xb8;
	[tilespmem:$0x1AC00] =	vst v63  }
0xa3: {  	s1 =	rddreg [dreg:$0x14]  }
0xa4: {  	[tilespmem:s22], [sflag:$0x1] =	stream.indirect.gather.add.f32 [hbm:s5], $0x80, s1, s23, $0xb8;
	[tilespmem:$0x1AC00] =	vst v63  }
0xa5: {  	s9 =	rddreg [dreg:$0x15]  }
0xa6: {  	[tilespmem:s22], [sflag:$0x1] =	stream.indirect.gather.add.f32 [hbm:s5], $0x80, s9, s23, $0xb8;
	[tilespmem:$0x1AC00] =	vst v63  }
0xa7: {  	s11 =	rddreg [dreg:$0x16]  }
0xa8: {  	[tilespmem:s22], [sflag:$0x1] =	stream.indirect.gather.add.f32 [hbm:s5], $0x80, s11, s23, $0xb8;
	[tilespmem:$0x1AC00] =	vst v63  }
0xa9: {  	s12 =	rddreg [dreg:$0x17]  }
0xaa: {  	[tilespmem:s22], [sflag:$0x1] =	stream.indirect.gather.add.f32 [hbm:s5], $0x80, s12, s23, $0xb8;
	[tilespmem:$0x1AC00] =	vst v63  }
0xab: {  	s15 =	rddreg [dreg:$0x18]  }
0xac: {  	[tilespmem:s22], [sflag:$0x1] =	stream.indirect.gather.add.f32 [hbm:s5], $0x80, s15, s23, $0xb8;
	[tilespmem:$0x1AC00] =	vst v63  }
0xad: {  	s26 =	rddreg [dreg:$0x19]  }
0xae: {  	[tilespmem:s22], [sflag:$0x1] =	stream.indirect.gather.add.f32 [hbm:s5], $0x80, s26, s23, $0xb8;
	[tilespmem:$0x1AC00] =	vst v63  }
0xaf: {  	s28 =	rddreg [dreg:$0x1a]  }
0xb0: {  	[tilespmem:s22], [sflag:$0x1] =	stream.indirect.gather.add.f32 [hbm:s5], $0x80, s28, s23, $0xb8;
	[tilespmem:$0x1AC00] =	vst v63  }
0xb1: {  	s29 =	rddreg [dreg:$0x1b]  }
0xb2: {  	[tilespmem:s22], [sflag:$0x1] =	stream.indirect.gather.add.f32 [hbm:s5], $0x80, s29, s23, $0xb8;
	[tilespmem:$0x1AC00] =	vst v63  }
0xb3: {  	_ = 	snop  }
0xb4: {  	[tilespmem:s22], [sflag:$0x1] =	stream.indirect.gather.add.f32 [hbm:s5], $0x80, s16, s23, $0xb8;
	[tilespmem:$0x1AC00] =	vst v63  }
0xb5: {  	_ = 	snop  }
0xb6: {  	[tilespmem:s22], [sflag:$0x1] =	stream.indirect.gather.add.f32 [hbm:s5], $0x80, s17, s23, $0xb8;
	[tilespmem:$0x1AC00] =	vst v63  }
0xb7: {  	_ = 	snop  }
0xb8: {  	[tilespmem:s22], [sflag:$0x1] =	stream.indirect.gather.add.f32 [hbm:s5], $0x80, s18, s23, $0xb8;
	[tilespmem:$0x1AC00] =	vst v63  }
0xb9: {  	_ = 	snop  }
0xba: {  	[tilespmem:s22], [sflag:$0x1] =	stream.indirect.gather.add.f32 [hbm:s5], $0x80, s19, s23, $0xb8;
	[tilespmem:$0x1AC00] =	vst v63  }
0xbb: {  	_ =	swait.ge [sflag:s24], $0x4000  }
0xbc: {  	[sflag:s24] =	ssyncset.done $0x0  }
0xbd: {  	[sflag:s24] =	ssyncadd.s32 $0xFFFFC000  }
0xbe: {  	_ =	swait.ge [sflag:s24], $0x4000  }
0xbf: {  	[sflag:s24] =	ssyncset.done $0x0  }
0xc0: {  	[sflag:s24] =	ssyncadd.s32 $0xFFFFC000  }
0xc1: {  	_ =	swait.ge [sflag:s24], $0x4000  }
0xc2: {  	[sflag:s24] =	ssyncset.done $0x0  }
0xc3: {  	[sflag:s24] =	ssyncadd.s32 $0xFFFFC000  }
0xc4: {  	_ =	swait.ge [sflag:s24], $0x4000  }
0xc5: {  	[sflag:s24] =	ssyncset.done $0x0  }
0xc6: {  	[sflag:s24] =	ssyncadd.s32 $0xFFFFC000  }
0xc7: {  	_ =	swait.ge [sflag:s24], $0x4000  }
0xc8: {  	[sflag:s24] =	ssyncset.done $0x0  }
0xc9: {  	[sflag:s24] =	ssyncadd.s32 $0xFFFFC000  }
0xca: {  	_ =	swait.ge [sflag:s24], $0x4000  }
0xcb: {  	[sflag:s24] =	ssyncset.done $0x0  }
0xcc: {  	[sflag:s24] =	ssyncadd.s32 $0xFFFFC000  }
0xcd: {  	_ =	swait.ge [sflag:s24], $0x4000  }
0xce: {  	[sflag:s24] =	ssyncset.done $0x0  }
0xcf: {  	[sflag:s24] =	ssyncadd.s32 $0xFFFFC000  }
0xd0: {  	_ =	swait.ge [sflag:s24], $0x4000  }
0xd1: {  	[sflag:s24] =	ssyncset.done $0x0  }
0xd2: {  	[sflag:s24] =	ssyncadd.s32 $0xFFFFC000  }
0xd3: {  	_ =	swait.ge [sflag:s24], $0x4000  }
0xd4: {  	[sflag:s24] =	ssyncset.done $0x0  }
0xd5: {  	[sflag:s24] =	ssyncadd.s32 $0xFFFFC000  }
0xd6: {  	_ =	swait.ge [sflag:s24], $0x4000  }
0xd7: {  	[sflag:s24] =	ssyncset.done $0x0  }
0xd8: {  	[sflag:s24] =	ssyncadd.s32 $0xFFFFC000  }
0xd9: {  	_ =	swait.ge [sflag:s24], $0x4000  }
0xda: {  	[sflag:s24] =	ssyncset.done $0x0  }
0xdb: {  	[sflag:s24] =	ssyncadd.s32 $0xFFFFC000  }
0xdc: {  	_ =	swait.ge [sflag:s24], $0x4000  }
0xdd: {  	[sflag:s24] =	ssyncset.done $0x0  }
0xde: {  	[sflag:s24] =	ssyncadd.s32 $0xFFFFC000  }
0xdf: {  	_ =	swait.ge [sflag:s24], $0x4000  }
0xe0: {  	[sflag:s24] =	ssyncset.done $0x0  }
0xe1: {  	[sflag:s24] =	ssyncadd.s32 $0xFFFFC000  }
0xe2: {  	_ =	swait.ge [sflag:s24], $0x4000  }
0xe3: {  	[sflag:s24] =	ssyncset.done $0x0  }
0xe4: {  	[sflag:s24] =	ssyncadd.s32 $0xFFFFC000  }
0xe5: {  	_ =	swait.ge [sflag:s24], $0x4000  }
0xe6: {  	[sflag:s24] =	ssyncset.done $0x0  }
0xe7: {  	[sflag:s24] =	ssyncadd.s32 $0xFFFFC000  }
0xe8: {  	_ =	swait.ge [sflag:s24], $0x4000  }
0xe9: {  	[sflag:s24] =	ssyncset.done $0x0  }
0xea: {  	[sflag:s24] =	ssyncadd.s32 $0xFFFFC000  }
0xeb: {  	_ =	swait.ge [sflag:s24], $0x4000  }
0xec: {  	[sflag:s24] =	ssyncset.done $0x0  }
0xed: {  	[sflag:s24] =	ssyncadd.s32 $0xFFFFC000  }
0xee: {  	_ =	swait.ge [sflag:s24], $0x4000  }
0xef: {  	[sflag:s24] =	ssyncset.done $0x0  }
0xf0: {  	[sflag:s24] =	ssyncadd.s32 $0xFFFFC000  }
0xf1: {  	_ =	swait.ge [sflag:s24], $0x4000  }
0xf2: {  	[sflag:s24] =	ssyncset.done $0x0  }
0xf3: {  	[sflag:s24] =	ssyncadd.s32 $0xFFFFC000  }
0xf4: {  	_ =	swait.ge [sflag:s24], $0x4000  }
0xf5: {  	[sflag:s24] =	ssyncset.done $0x0  }
0xf6: {  	[sflag:s24] =	ssyncadd.s32 $0xFFFFC000  }
0xf7: {  	_ =	swait.ge [sflag:s24], $0x4000  }
0xf8: {  	[sflag:s24] =	ssyncset.done $0x0  }
0xf9: {  	[sflag:s24] =	ssyncadd.s32 $0xFFFFC000  }
0xfa: {  	_ =	swait.ge [sflag:s24], $0x4000  }
0xfb: {  	[sflag:s24] =	ssyncset.done $0x0  }
0xfc: {  	[sflag:s24] =	ssyncadd.s32 $0xFFFFC000  }
0xfd: {  	_ =	swait.ge [sflag:s24], $0x4000  }
0xfe: {  	[sflag:s24] =	ssyncset.done $0x0  }
0xff: {  	[sflag:s24] =	ssyncadd.s32 $0xFFFFC000  }
0x100: {  	_ =	swait.ge [sflag:s24], $0x4000  }
0x101: {  	[sflag:s24] =	ssyncset.done $0x0  }
0x102: {  	[sflag:s24] =	ssyncadd.s32 $0xFFFFC000  }
0x103: {  	_ =	swait.ge [sflag:s24], $0x4000  }
0x104: {  	[sflag:s24] =	ssyncset.done $0x0  }
0x105: {  	[sflag:s24] =	ssyncadd.s32 $0xFFFFC000  }
0x106: {  	_ =	swait.ge [sflag:s24], $0x4000  }
0x107: {  	[sflag:s24] =	ssyncset.done $0x0  }
0x108: {  	[sflag:s24] =	ssyncadd.s32 $0xFFFFC000  }
0x109: {  	_ =	swait.ge [sflag:s24], $0x4000  }
0x10a: {  	[sflag:s24] =	ssyncset.done $0x0  }
0x10b: {  	s30 =	rddreg [dreg:$0x4];
	[sflag:s24] =	ssyncadd.s32 $0xFFFFC000  }
0x10c: {  	[hbm4b:s30+s4] =	stream.linear.scatter [tilespmem:s21], [sflag:$0x2], $0x4000, $0x38;
	[tilespmem:$0x1AC00] =	vst v63  }
0x10d: {  	_ =	swait.ge [sflag:s20], $0x4000  }
0x10e: {  	[sflag:s20] =	ssyncset.done $0x0  }
.Ltmp7:
0x10f: {  	s31 =	rddreg [dreg:$0x5];
	[sflag:s20] =	ssyncadd.s32 $0xFFFFC000;
	(pc) =	sbr.rel .LBB2_11-.Ltmp7, $4  }
0x110: {  	[hbm4b:s31+s4] =	stream.linear.scatter [tilespmem:s22], [sflag:$0x2], $0x4000, $0x38;
	[tilespmem:$0x1AC00] =	vst v63  }
0x111: {  	_ =	swait.ge [sflag:s20], $0x4000  }
0x112: {  	[sflag:s20] =	ssyncset.done $0x0  }
0x113: {  	[sflag:s20] =	ssyncadd.s32 $0xFFFFC000  }
.LBB2_12:
0x114: {  	_ =	sfence.sel $0x180000  }
0x115: {  	[bflag:$0x0] =	sbarrier.arrive $0xFFFF  }
0x116: {  	_ =	strace $0x90000047  }
0x117: {  	s0 =	stileid.u32;
	[bflag:$0x2] =	sbarrier.arrive $0xFFFF  }
0x118: {  	p0 =	sne.s32 s0, $0x0;
	s0 =	rddreg [dreg:$0x2]  }
0x119: {  	s0 =	sadd.s32 @!p0 $0x100000, s0  }
0x11a: {  	[sflag:s0] =	ssyncadd.tile.s32 @!p0 $0x1;
	_ =	shalt  }
.Lfunc_end2:
_tile_overlayer_lowered:
.L_overlay_start_2:
0x11b: {  	(tag) =	ssettag $0x2  }
0x11c: {  	s0 =	rddreg [dreg:$0x0];
	s2 =	stileid.u32  }
0x11d: {  	s1 =	rddreg [dreg:$0x1];
	p0 =	sne.s32 s2, $0x0  }
0x11e: {  	s3 =	rddreg [dreg:$0x2];
	[bflag:$0x3] =	sbarrier.arrive $0xFFFF;
	s2 =	simm.s32 @!p0 $0x1C02  }
0x11f: {  	[timem:s3], [sflag:s2] =	dma.local @!p0 [hbm:s0], s1  }
0x120: {  	s0 =	simm.s32 @!p0 $0x2  }
0x121: {  	_ =	swait.ge @!p0 [sflag:s0], s1  }
0x122: {  	s1 =	ssub.s32 @!p0 $0x0, s1;
	[sflag:s0] =	ssyncset.done @!p0 $0x0  }
0x123: {  	[sflag:s0] =	ssyncadd.s32 @!p0 s1  }
0x124: {  	[bflag:$0x3] =	sbarrier.arrive $0xFFFF  }
0x125: {  	_ =	shalt  }

// kernel: kernel.13.cloned.1.call-start
scs
__scs_entry_jumppad:
0x0: {  	(pc) =	sbr.rel $0x88, $3  }
0x1: {  	(tag) =	ssettag $0x0;
	lr =	simm.s32 $0x1  }
0x2: {  	[smem:$0x3F97] =	sst lr;
	_ =	strace $0xD0000000  }
0x3: {  	_ = 	snop  }
0x4: {  	_ = 	snop  }
0x5: {  	_ = 	snop  }
0x6: {  	_ = 	snop  }
0x7: {  	_ = 	snop  }
__scs_overlays_trampoline_lowered:
0x8: {  	[smem:$0x3FA6] =	sst s0  }
0x9: {  	[smem:$0x3FA7] =	sst s1  }
0xa: {  	[smem:$0x3FA8] =	sst s2  }
0xb: {  	[smem:$0x3FA9] =	sst s3  }
0xc: {  	[smem:$0x3FAA] =	sst s4  }
0xd: {  	[smem:$0x3FAB] =	sst s5  }
0xe: {  	[smem:$0x3FAC] =	sst s6  }
0xf: {  	[smem:$0x3FAD] =	sst s7  }
0x10: {  	[smem:$0x3FAE] =	sst s8  }
0x11: {  	[smem:$0x3FAF] =	sst s9;
	s0 =	simm.s32 @!p0 $0x0  }
0x12: {  	s1 =	sld [smem:$0x3F95];
	s0 =	simm.s32 @p0 $0x1  }
0x13: {  	[smem:$0x3FB0] =	sst s0;
	s0 =	simm.s32 @!p1 $0x0  }
0x14: {  	s2 =	sld [smem:$0x3F94];
	s0 =	simm.s32 @p1 $0x1  }
0x15: {  	[smem:$0x3FB1] =	sst s0;
	s0 =	simm.s32 @!p2 $0x0  }
0x16: {  	s3 =	sld [smem:$0x3FDB];
	s0 =	simm.s32 @p2 $0x1  }
0x17: {  	s4 =	simm.s32 $0x1BF5;
	[smem:$0x3FB3] =	sst s0  }
0x18: {  	s0 =	sld [smem:$0x3F96];
	_ =	swait.ge [sflag:s4], $0x0  }
0x19: {  	s7 =	sld [smem:$0x3F97]  }
0x1a: {  	s8 =	sadd.s32 $0xFFFFE003, lr  }
0x1b: {  	s9 =	sadd.s32 $0xFFFFFEF7, lr;
	s5 =	simm.s32 $0xFFFFFFFF;
	p2 =	slt.u32 s8, $0xFFFFF086  }
0x1c: {  	p1 =	slt.u32 s9, $0xF7A;
	s5 =	simm.s32 @!p2 $0x0  }
0x1d: {  	s5 =	simm.s32 @p1 $0x1;
	p0 =	seq.s32 s7, s2  }
0x1e: {  	s7 =	smul.u32 @!p0 $0xF7A, s2;
	p2 =	seq.s32 @!p0 s5, $0x0  }
0x1f: {  	s9 =	smul.u32 $0xF7A, s1;
	s8 =	simm.s32 @!p0 $0x1BF5;
	p2 =	por !p2, p0  }
0x20: {  	[sflag:s8] =	ssyncset.s32 @!p0 $0xFFFFF086;
	s6 =	sadd.s32 @!p0 s3, s7;
	s7 =	simm.s32 @!p0 $0x108  }
0x21: {  	s3 =	sadd.s32 s3, s9;
	s6 =	sadd.s32 @!p0 $0x88, s6;
	s7 =	simm.s32 @p2 $0x1082  }
0x22: {  	[simem:s7], [sflag:s8] =	dma.local @!p0 [hbm:s6], $0xF7A  }
0x23: {  	s9 =	sor.u32 $0xD0000000, s2;
	s6 =	simm.s32 $0x108;
	_ =	swait.ge @!p0 [sflag:s8], $0x0  }
0x24: {  	s3 =	sadd.s32 $0x88, s3;
	s6 =	simm.s32 @!p1 $0x1082;
	[sflag:s4] =	ssyncset.s32 $0xFFFFF086  }
0x25: {  	[simem:s6], [sflag:s4] =	dma.local [hbm:s3], $0xF7A  }
0x26: {  	[smem:$0x3F97] =	sst s1;
	(tag) =	ssettag s2;
	_ =	strace s9  }
0x27: {  	s1 =	sld [smem:$0x3FA7]  }
0x28: {  	s2 =	sld [smem:$0x3FA8]  }
0x29: {  	s4 =	sld [smem:$0x3FAA]  }
0x2a: {  	p0 =	seq.s32 s5, $0x0;
	s5 =	sld [smem:$0x3FAB]  }
0x2b: {  	s6 =	sld [smem:$0x3FAC]  }
0x2c: {  	s7 =	sld [smem:$0x3FAD]  }
0x2d: {  	s3 =	simm.s32 $0x108;
	s8 =	sld [smem:$0x3FAE]  }
0x2e: {  	s3 =	simm.s32 @!p0 $0x1082;
	s9 =	sld [smem:$0x3FAF]  }
0x2f: {  	lr =	sadd.s32 s0, s3;
	s0 =	sld [smem:$0x3FA6]  }
0x30: {  	s3 =	sld [smem:$0x3FA9]  }
0x31: {  	[smem:$0x3FB2] =	sst s10  }
0x32: {  	s10 =	sld [smem:$0x3FB0];
	_ =	sdelay $0x3  }
0x33: {  	p0 =	seq.s32 s10, $0x1;
	s10 =	sld [smem:$0x3FB2];
	_ =	sdelay $0x3  }
0x34: {  	[smem:$0x3FB2] =	sst s10  }
0x35: {  	s10 =	sld [smem:$0x3FB1];
	_ =	sdelay $0x3  }
0x36: {  	p1 =	seq.s32 s10, $0x1;
	s10 =	sld [smem:$0x3FB2];
	_ =	sdelay $0x3  }
0x37: {  	[smem:$0x3FB2] =	sst s10  }
0x38: {  	s10 =	sld [smem:$0x3FB3]  }
0x39: {  	_ = 	snop;
	(pc) =	sbr.ind lr, $3  }
0x3a: {  	_ = 	snop  }
0x3b: {  	_ = 	snop  }
0x3c: {  	p2 =	seq.s32 s10, $0x1;
	s10 =	sld [smem:$0x3FB2]  }
0x3d: {  	_ =	shalt  }
0x3e: {  	_ =	shalt  }
0x3f: {  	_ =	shalt  }
0x40: {  	_ =	shalt  }
0x41: {  	_ =	shalt  }
0x42: {  	_ =	shalt  }
0x43: {  	_ =	shalt  }
0x44: {  	_ =	shalt  }
0x45: {  	_ =	shalt  }
0x46: {  	_ =	shalt  }
0x47: {  	_ =	shalt  }
0x48: {  	_ =	shalt  }
0x49: {  	_ =	shalt  }
0x4a: {  	_ =	shalt  }
0x4b: {  	_ =	shalt  }
0x4c: {  	_ =	shalt  }
0x4d: {  	_ =	shalt  }
0x4e: {  	_ =	shalt  }
0x4f: {  	_ =	shalt  }
0x50: {  	_ =	shalt  }
0x51: {  	_ =	shalt  }
0x52: {  	_ =	shalt  }
0x53: {  	_ =	shalt  }
0x54: {  	_ =	shalt  }
0x55: {  	_ =	shalt  }
0x56: {  	_ =	shalt  }
0x57: {  	_ =	shalt  }
0x58: {  	_ =	shalt  }
0x59: {  	_ =	shalt  }
0x5a: {  	_ =	shalt  }
0x5b: {  	_ =	shalt  }
0x5c: {  	_ =	shalt  }
0x5d: {  	_ =	shalt  }
0x5e: {  	_ =	shalt  }
0x5f: {  	_ =	shalt  }
0x60: {  	_ =	shalt  }
0x61: {  	_ =	shalt  }
0x62: {  	_ =	shalt  }
0x63: {  	_ =	shalt  }
0x64: {  	_ =	shalt  }
0x65: {  	_ =	shalt  }
0x66: {  	_ =	shalt  }
0x67: {  	_ =	shalt  }
0x68: {  	_ =	shalt  }
0x69: {  	_ =	shalt  }
0x6a: {  	_ =	shalt  }
0x6b: {  	_ =	shalt  }
0x6c: {  	_ =	shalt  }
0x6d: {  	_ =	shalt  }
0x6e: {  	_ =	shalt  }
0x6f: {  	_ =	shalt  }
0x70: {  	_ =	shalt  }
0x71: {  	_ =	shalt  }
0x72: {  	_ =	shalt  }
0x73: {  	_ =	shalt  }
0x74: {  	_ =	shalt  }
0x75: {  	_ =	shalt  }
0x76: {  	_ =	shalt  }
0x77: {  	_ =	shalt  }
0x78: {  	_ =	shalt  }
0x79: {  	_ =	shalt  }
0x7a: {  	_ =	shalt  }
0x7b: {  	_ =	shalt  }
0x7c: {  	_ =	shalt  }
0x7d: {  	_ =	shalt  }
0x7e: {  	_ =	shalt  }
0x7f: {  	_ =	shalt  }
0x80: {  	_ =	shalt  }
0x81: {  	_ =	shalt  }
0x82: {  	_ =	shalt  }
0x83: {  	_ =	shalt  }
0x84: {  	_ =	shalt  }
0x85: {  	_ =	shalt  }
0x86: {  	_ =	shalt  }
0x87: {  	_ =	shalt  }
.Lfunc_end0:
.L_simem_size_0:
called_computation.1_lowered:
.L_overlay_start_0:
0x88: {  	s2 =	sld [smem:$0x3FD9]  }
0x89: {  	s3 =	sld [smem:$0x3FFE];
	_ =	sdelay $0x1  }
0x8a: {  	s1 =	srdreg.scid  }
0x8b: {  	s0 =	sand.u32 $0x1, s1  }
0x8c: {  	s17 =	sshll.u32 s0, $0xA;
	s2 =	sadd.s32 s3, s2  }
0x8d: {  	s2 =	sadd.s32 s2, s17  }
0x8e: {  	[smem:$0x3FBE] =	sst s2  }
0x8f: {  	_ = 	snop  }
0x90: {  	s2 =	sld [smem:$0x3FD0];
	(tm) =	ssettm $0x1  }
0x91: {  	s18 =	sld [smem:$0x3FFB];
	_ =	sdelay $0x3  }
0x92: {  	_ =	strace s18  }
0x93: {  	s3 =	sld [smem:$0x3FFC];
	_ =	sdelay $0x3  }
0x94: {  	_ =	strace s3  }
0x95: {  	s3 =	sld [smem:$0x3FFD];
	_ =	sdelay $0x3  }
0x96: {  	_ =	strace s3  }
0x97: {  	_ =	strace $0x8FFFFFFF  }
0x98: {  	s19 =	sld [smem:$0x3FDB];
	_ =	sdelay $0x1  }
0x99: {  	s4 =	simm.s32 $_scs_section_size  }
0x9a: {  	s5 =	simm.s32 $_size__tile_overlayer_lowered;
	s6 =	simm.s32 $_tile_overlayer_lowered  }
0x9b: {  	s22 =	simm.s32 $0x1BFF;
	s21 =	sshll.u32 s6, $0x1;
	s3 =	sadd.s32 s4, s19  }
0x9c: {  	s7 =	simm.s32 $0x0;
	s20 =	sshll.u32 s5, $0x1;
	s5 =	sadd.s32 s21, s3  }
0x9d: {  	[timem:s7], [sflag:s22] =	dma.local [hbm:s5], s20  }
0x9e: {  	_ =	swait.ge [sflag:s22], s20  }
0x9f: {  	s4 =	ssub.s32 $0x0, s20;
	[sflag:s22] =	ssyncset.done $0x0  }
0xa0: {  	[sflag:s22] =	ssyncadd.s32 s4;
	_ =	sdelay $0x1  }
0xa1: {  	s23 =	simm.s32 $0x1B8B  }
0xa2: {  	_ =	swait.ge [sflag:s23], $0x1  }
0xa3: {  	[sflag:s23] =	ssyncset.done $0x0  }
0xa4: {  	s25 =	simm.s32 $0x1B8E;
	s24 =	sld [smem:$0x3FFE];
	[sflag:s23] =	ssyncadd.s32 $0xFFFFFFFF  }
0xa5: {  	s26 =	simm.s32 $execute0_lowered;
	[smem:$0x3FD2] =	sst s25  }
0xa6: {  	s5 =	sshll.u32 s26, $0x1;
	_ =	strace $0x80000049;
	[dreg:$0x1] =	wrdreg $0xFFFFFFFF  }
0xa7: {  	s28 =	simm.s32 $_size_execute0_lowered;
	s3 =	sadd.s32 s3, s5;
	[dreg:$0x0] =	wrdreg $0x0  }
0xa8: {  	s5 =	sshll.u32 s28, $0x1;
	[dreg:$0x2] =	wrdreg s3  }
0xa9: {  	[dreg:$0x3] =	wrdreg s5  }
0xaa: {  	[dreg:$0x4] =	wrdreg $0xC0  }
0xab: {  	_ =	task [dreg:s7], $0x5FFFF  }
0xac: {  	[dreg:$0x1] =	wrdreg $0xFFFFFFFF  }
0xad: {  	[dreg:$0x0] =	wrdreg $0x60  }
0xae: {  	[dreg:$0x2] =	wrdreg s24  }
0xaf: {  	[dreg:$0x3] =	wrdreg s2  }
0xb0: {  	[dreg:$0x4] =	wrdreg $0x9  }
0xb1: {  	_ =	task.clear_ibuf [dreg:s7], $0x5FFFF;
	_ =	strace $0x90000049  }
0xb2: {  	s29 =	simm.s32 $0x9;
	_ =	strace $0x8000004B  }
0xb3: {  	_ =	swait.ge [sflag:s29], $0x1  }
0xb4: {  	[sflag:s29] =	ssyncadd.s32 $0xFFFFFFFF  }
0xb5: {  	_ =	strace $0x9000004B  }
0xb6: {  	_ =	sfence  }
0xb7: {  	s30 =	sld [smem:$0x0];
	_ =	sdelay $0x2  }
0xb8: {  	s31 =	sshll.u32 s1, $0xD;
	s1 =	sshrl.u32 s1, $0x2  }
0xb9: {  	s3 =	sand.u32 $0x4000, s31;
	s1 =	sadd.s32 s1, s30  }
0xba: {  	s0 =	sor.u32 s3, s0;
	s1 =	sshll.u32 s1, $0x11  }
0xbb: {  	s0 =	sor.u32 s1, s0  }
0xbc: {  	s0 =	sadd.s32 $0x8F2B, s0  }
0xbd: {  	[sflag:s0] =	ssyncadd.remote.s32 $0x1  }
0xbe: {  	_ =	sfence.sel $0xFFFF  }
0xbf: {  	[dreg:$0x0] =	wrdreg $0xFFFFFFFF;
	(pc) =	sbr.abs _section_cstart, $3  }
0xc0: {  	[dreg:$0x1] =	wrdreg $0xFFFFFFFF  }
0xc1: {  	_ =	task.clear_ibuf [dreg:s7], $0x2FFFF;
	_ =	strace $0x9FFFFFFF  }
0xc2: {  	(tm) =	ssettm $0x7FFFFFFF  }
0xc3: {  	_ =	shalt  }
tec
execute0_lowered:
.L_overlay_start_1:
0x0: {  	(tag) =	ssettag $0x1  }
0x1: {  	s0 =	srdreg.scid;
	s15 =	stileid.u32  }
0x2: {  	s0 =	sand.u32 $0x1, s0;
	s1 =	sshll.u32 s15, $0x1  }
0x3: {  	s2 =	sor.u32 s0, s1  }
0x4: {  	s5 =	smul.u32 $0x56, s2;
	_ =	sdelay $0x1  }
0x5: {  	s6 =	sshrl.u32 s5, $0x8  }
0x6: {  	s24 =	rddreg [dreg:$0x0];
	s7 =	smul.u32 $0x3, s6  }
0x7: {  	s3 =	rddreg [dreg:$0x1];
	s8 =	sor.u32 $0x100, s6  }
0x8: {  	s4 =	simm.s32 $0x0;
	s13 =	smul.u32 $0x580, s8;
	s7 =	ssub.s32 s2, s7  }
0x9: {  	[smem:$0x7FF] =	sst s4;
	s9 =	sand.u32 $0xFF, s7  }
0xa: {  	_ =	strace $0x8000004A;
	s26 =	sadd.s32 s3, s13;
	s14 =	sshll.u32 s9, $0x7  }
0xb: {  	s0 =	ssub.s32 $0x2, s0;
	[dreg:$0x3] =	wrdreg s26;
	s29 =	sadd.s32 $0x300, s14  }
0xc: {  	s12 =	sshrl.u32 s0, $0x1;
	s30 =	sor.u32 $0x600, s14;
	[dreg:$0x6] =	wrdreg s29  }
0xd: {  	s10 =	smul.u32 $0xC000, s8;
	s31 =	sadd.s32 $0x900, s14;
	[dreg:$0x7] =	wrdreg s30  }
0xe: {  	s11 =	sshll.u32 s9, $0xE;
	s9 =	sadd.s32 $0xF00, s14;
	[dreg:$0x8] =	wrdreg s31  }
0xf: {  	s10 =	sadd.s32 s11, s10;
	s11 =	sor.u32 $0x1200, s14;
	[dreg:$0xa] =	wrdreg s9  }
0x10: {  	s0 =	ssub.s32 s0, s12;
	s12 =	sadd.s32 $0x1500, s14;
	[dreg:$0xb] =	wrdreg s11  }
0x11: {  	s16 =	sor.u32 $0x1800, s14;
	[dreg:$0xc] =	wrdreg s12  }
0x12: {  	s17 =	sadd.s32 $0x1B00, s14;
	[dreg:$0xd] =	wrdreg s16  }
0x13: {  	s18 =	sor.u32 $0x1E00, s14;
	[dreg:$0xe] =	wrdreg s17  }
0x14: {  	s19 =	sadd.s32 $0x2100, s14;
	[dreg:$0xf] =	wrdreg s18  }
0x15: {  	p0 =	sgt.u32 s15, $0xB;
	s20 =	sor.u32 $0x2400, s14;
	[dreg:$0x10] =	wrdreg s19  }
0x16: {  	s5 =	sadd.s32 $0x4A1A00, s24;
	s21 =	sadd.s32 $0x2700, s14;
	[dreg:$0x11] =	wrdreg s20  }
0x17: {  	s6 =	sadd.s32 $0x189A00, s24;
	s22 =	sadd.s32 $0x180, s14;
	[dreg:$0x12] =	wrdreg s21  }
0x18: {  	s8 =	sadd.s32 $0x1BD5A00, s24;
	s23 =	sadd.s32 $0x480, s14;
	[dreg:$0x13] =	wrdreg s22  }
0x19: {  	s7 =	sadd.s32 $0x1A49A00, s24;
	s24 =	sadd.s32 $0x780, s14;
	[dreg:$0x14] =	wrdreg s23  }
0x1a: {  	s13 =	smax.u32 s0, $0x1;
	s26 =	sadd.s32 $0xD80, s14;
	[dreg:$0x15] =	wrdreg s24  }
0x1b: {  	s25 =	sshrl.u32 s10, $0x3;
	[dreg:$0x17] =	wrdreg s26;
	s29 =	sadd.s32 $0x1380, s14  }
0x1c: {  	s30 =	sadd.s32 $0x1680, s14;
	s31 =	sadd.s32 $0x1980, s14;
	s16 =	sadd.s32 $0x1C80, s14  }
0x1d: {  	s17 =	sadd.s32 $0x1F80, s14;
	s18 =	sadd.s32 $0x2280, s14;
	[dreg:$0x19] =	wrdreg s29  }
0x1e: {  	s19 =	sadd.s32 $0x2580, s14;
	s20 =	simm.s32 $0x2;
	[dreg:$0x1a] =	wrdreg s30  }
0x1f: {  	s21 =	simm.s32 $0x2C00;
	s28 =	sadd.s32 s7, s25;
	[dreg:$0x1b] =	wrdreg s31  }
.Ltmp0:
0x20: {  	s1 =	sadd.s32 s8, s25;
	[dreg:$0x4] =	wrdreg s28;
	(pc) =	sbr.rel .LBB2_1-.Ltmp0, $4  }
0x21: {  	s10 =	sadd.s32 s6, s25;
	s25 =	sadd.s32 $0xA80, s14;
	[dreg:$0x5] =	wrdreg s1  }
0x22: {  	s22 =	simm.s32 $0xEC00;
	s1 =	sor.u32 $0xC00, s14;
	[dreg:$0x16] =	wrdreg s25  }
0x23: {  	s23 =	simm.s32 $0x80;
	s28 =	sadd.s32 $0x1080, s14;
	[dreg:$0x9] =	wrdreg s1  }
0x24: {  	s24 =	simm.s32 $0x1;
	s25 =	simm.s32 $0x0;
	[dreg:$0x18] =	wrdreg s28  }
.LBB2_11:
0x25: {  	s25 =	sadd.s32 $0x1, s25  }
0x26: {  	p1 =	sne.s32 s25, s13  }
.Ltmp1:
0x27: {  	_ = 	snop;
	(pc) =	sbr.rel @!p1 .LBB2_12-.Ltmp1, $1  }
0x28: {  	_ =	sdelay $0x3  }
.LBB2_1:
0x29: {  	s26 =	simm.s32 $0x0  }
.LBB2_2:
0x2a: {  	s0 =	sshll.u32 s26, $0x5  }
0x2b: {  	s0 =	sor.u32 s2, s0  }
0x2c: {  	s1 =	smul.u32 $0x580, s0;
	_ =	sdelay $0x1  }
0x2d: {  	s30 =	simm.s32 $0x0;
	s1 =	sadd.s32 s3, s1  }
0x2e: {  	[tilespmem:s30], [sflag:$0x2] =	stream.linear.gather [hbm4b:s1+s30], $0x2C00, $0x38;
	[tilespmem:$0x1AC00] =	vst v63  }
0x2f: {  	s28 =	smul.u32 $0x1800, s0;
	_ =	swait.ge [sflag:s20], $0x2C00  }
0x30: {  	[sflag:s20] =	ssyncset.done $0x0  }
0x31: {  	s0 =	sadd.s32 s6, s28;
	[sflag:s20] =	ssyncadd.s32 $0xFFFFD400  }
0x32: {  	[tilespmem:s21], [sflag:$0x2] =	stream.linear.gather [hbm4b:s0+s30], $0xC000, $0x38;
	[tilespmem:$0x1AC00] =	vst v63  }
0x33: {  	s11 =	smul.u32 $0xAB, s30;
	_ =	swait.ge [sflag:s20], $0xC000  }
0x34: {  	[sflag:s20] =	ssyncset.done $0x0  }
0x35: {  	s29 =	simm.s32 $0x1;
	s12 =	sshrl.u32 s11, $0x9;
	[sflag:s20] =	ssyncadd.s32 $0xFFFF4000  }
0x36: {  	[tilespmem:s22], [sflag:$0x2] =	stream.linear.gather [hbm4b:s0+s30], $0xC000, $0x38;
	[tilespmem:$0x1AC00] =	vst v63  }
0x37: {  	s9 =	smul.u32 $0xAB, s29;
	s0 =	sand.u32 $0x7F, s12  }
0x38: {  	s15 =	smul.u32 $0x6, s0  }
0x39: {  	s0 =	smul.u32 $0x3, s0  }
0x3a: {  	s31 =	simm.s32 $0x2;
	_ =	swait.ge [sflag:s20], $0xC000  }
0x3b: {  	s11 =	sshrl.u32 s9, $0x9;
	[sflag:s20] =	ssyncset.done $0x0;
	s0 =	ssub.s32 $0x0, s0  }
0x3c: {  	[sflag:s20] =	ssyncadd.s32 $0xFFFF4000;
	s1 =	sand.u32 $0xFE, s15;
	s12 =	sand.u32 $0xFF, s0  }
0x3d: {  	s0 =	sadd.s32 s12, s1;
	s9 =	sshll.u32 s12, $0xE;
	s1 =	simm.s32 $0x1  }
.LBB2_3:
0x3e: {  	p1 =	sne.s32 s31, $0x29;
	s11 =	sand.u32 $0x7F, s11  }
0x3f: {  	s12 =	smov.u32 s31;
	s31 =	sadd.s32 $0x1, s31;
	s15 =	smul.u32 $0x6, s11  }
0x40: {  	s9 =	sor.u32 $0x2C00, s9;
	s0 =	sshll.u32 s0, $0x7;
	s11 =	smul.u32 $0x3, s11  }
.Ltmp2:
0x41: {  	(pc) =	sbr.rel @p1 .LBB2_3-.Ltmp2, $4  }
0x42: {  	[tilespmem:s9], [sflag:$0x1] =	stream.indirect.gather.add.f32 [hbm:s5], $0x80, s0, s23, $0xb8;
	[tilespmem:$0x1AC00] =	vst v63  }
0x43: {  	s0 =	smul.u32 $0xAB, s12;
	s1 =	ssub.s32 s1, s11;
	s9 =	sand.u32 $0xFE, s15  }
0x44: {  	s15 =	sand.u32 $0xFF, s1;
	s1 =	smov.u32 s12  }
0x45: {  	s11 =	sshrl.u32 s0, $0x9;
	s0 =	sadd.s32 s15, s9;
	s9 =	sshll.u32 s15, $0xE  }
0x46: {  	s11 =	sand.u32 $0x7F, s11  }
0x47: {  	s12 =	smul.u32 $0x6, s11  }
0x48: {  	s9 =	sor.u32 $0x2C00, s9;
	s0 =	sshll.u32 s0, $0x7;
	s11 =	smul.u32 $0x3, s11  }
0x49: {  	[tilespmem:s9], [sflag:$0x1] =	stream.indirect.gather.add.f32 [hbm:s5], $0x80, s0, s23, $0xb8;
	[tilespmem:$0x1AC00] =	vst v63  }
0x4a: {  	s11 =	ssub.s32 s1, s11  }
0x4b: {  	s31 =	smul.u32 $0xAB, s30;
	s15 =	sand.u32 $0xFE, s12;
	s0 =	sand.u32 $0xFF, s11  }
0x4c: {  	s1 =	sadd.s32 s0, s15;
	s0 =	sshll.u32 s0, $0xE  }
0x4d: {  	s11 =	sshrl.u32 s31, $0x9;
	s0 =	sor.u32 $0x2C00, s0;
	s1 =	sshll.u32 s1, $0x7  }
0x4e: {  	[tilespmem:s0], [sflag:$0x1] =	stream.indirect.gather.add.f32 [hbm:s5], $0x80, s1, s23, $0xb8;
	[tilespmem:$0x1AC00] =	vst v63  }
0x4f: {  	s0 =	sand.u32 $0x7F, s11  }
0x50: {  	s12 =	smul.u32 $0x3, s0  }
0x51: {  	s15 =	smul.u32 $0x6, s0  }
0x52: {  	s30 =	smul.u32 $0xAB, s29;
	s31 =	ssub.s32 $0x0, s12  }
0x53: {  	s1 =	simm.s32 $0x2;
	s9 =	sand.u32 $0xFE, s15;
	s0 =	sand.u32 $0xFF, s31  }
.LBB2_5:
0x54: {  	s11 =	sshrl.u32 s30, $0x9  }
0x55: {  	p1 =	sne.s32 s1, $0x26;
	s9 =	sadd.s32 s9, s0;
	s11 =	sand.u32 $0x7F, s11  }
0x56: {  	s0 =	sshll.u32 s0, $0xE;
	s9 =	sshll.u32 s9, $0x7;
	s12 =	smul.u32 $0x3, s11  }
.Ltmp3:
0x57: {  	s0 =	sadd.s32 $0xEC00, s0;
	s9 =	sadd.s32 $0x180, s9;
	(pc) =	sbr.rel @p1 .LBB2_5-.Ltmp3, $4  }
0x58: {  	[tilespmem:s0], [sflag:$0x1] =	stream.indirect.gather.add.f32 [hbm:s5], $0x80, s9, s23, $0xb8;
	[tilespmem:$0x1AC00] =	vst v63  }
0x59: {  	s9 =	smul.u32 $0x6, s11  }
0x5a: {  	s30 =	smul.u32 $0xAB, s1;
	s0 =	ssub.s32 s29, s12;
	s29 =	smov.u32 s1  }
0x5b: {  	s1 =	sadd.s32 $0x1, s1;
	s0 =	sand.u32 $0xFF, s0;
	s9 =	sand.u32 $0xFE, s9  }
0x5c: {  	s1 =	sshrl.u32 s30, $0x9  }
0x5d: {  	s9 =	sadd.s32 s9, s0;
	s1 =	sand.u32 $0x7F, s1  }
0x5e: {  	s15 =	sshll.u32 s0, $0xE;
	s9 =	sshll.u32 s9, $0x7;
	s11 =	smul.u32 $0x3, s1  }
0x5f: {  	s0 =	sadd.s32 $0xEC00, s15;
	s9 =	sadd.s32 $0x180, s9;
	s30 =	smul.u32 $0x6, s1  }
0x60: {  	[tilespmem:s0], [sflag:$0x1] =	stream.indirect.gather.add.f32 [hbm:s5], $0x80, s9, s23, $0xb8;
	[tilespmem:$0x1AC00] =	vst v63  }
0x61: {  	s31 =	ssub.s32 s29, s11  }
0x62: {  	s0 =	sand.u32 $0xFE, s30;
	s1 =	sand.u32 $0xFF, s31  }
0x63: {  	s0 =	sadd.s32 s0, s1  }
0x64: {  	s1 =	sshll.u32 s1, $0xE;
	s0 =	sshll.u32 s0, $0x7  }
0x65: {  	s1 =	sadd.s32 $0xEC00, s1;
	s0 =	sadd.s32 $0x180, s0  }
0x66: {  	[tilespmem:s1], [sflag:$0x1] =	stream.indirect.gather.add.f32 [hbm:s5], $0x80, s0, s23, $0xb8;
	[tilespmem:$0x1AC00] =	vst v63  }
0x67: {  	_ =	swait.ge [sflag:s24], $0x4000  }
0x68: {  	s0 =	simm.s32 $0x50;
	[sflag:s24] =	ssyncset.done $0x0  }
.LBB2_7:
0x69: {  	p1 =	sne.s32 s0, $0x1;
	s0 =	sadd.s32 $0xFFFFFFFF, s0;
	[sflag:s24] =	ssyncadd.s32 $0xFFFFC000  }
.Ltmp4:
0x6a: {  	(pc) =	sbr.rel @p1 .LBB2_7-.Ltmp4, $3  }
0x6b: {  	_ =	sdelay $0x1  }
0x6c: {  	_ =	swait.ge [sflag:s24], $0x4000  }
0x6d: {  	[sflag:s24] =	ssyncset.done $0x0  }
0x6e: {  	[sflag:s24] =	ssyncadd.s32 $0xFFFFC000;
	s0 =	sadd.s32 s7, s28  }
0x6f: {  	[hbm4b:s0+s4] =	stream.linear.scatter [tilespmem:s21], [sflag:$0x2], $0xC000, $0x38;
	[tilespmem:$0x1AC00] =	vst v63  }
0x70: {  	s26 =	sadd.s32 $0x1, s26;
	_ =	swait.ge [sflag:s20], $0xC000  }
0x71: {  	p1 =	sne.s32 s26, $0x8;
	[sflag:s20] =	ssyncset.done $0x0  }
.Ltmp5:
0x72: {  	s31 =	sadd.s32 s8, s28;
	[sflag:s20] =	ssyncadd.s32 $0xFFFF4000;
	(pc) =	sbr.rel @p1 .LBB2_2-.Ltmp5, $4  }
0x73: {  	[hbm4b:s31+s4] =	stream.linear.scatter [tilespmem:s22], [sflag:$0x2], $0xC000, $0x38;
	[tilespmem:$0x1AC00] =	vst v63  }
0x74: {  	_ =	swait.ge [sflag:s20], $0xC000  }
0x75: {  	[sflag:s20] =	ssyncset.done $0x0  }
0x76: {  	[sflag:s20] =	ssyncadd.s32 $0xFFFF4000  }
.Ltmp6:
0x77: {  	(pc) =	sbr.rel @p0 .LBB2_11-.Ltmp6, $1  }
0x78: {  	_ =	sdelay $0x3  }
0x79: {  	s0 =	rddreg [dreg:$0x3]  }
0x7a: {  	[tilespmem:s4], [sflag:$0x2] =	stream.linear.gather [hbm4b:s0+s4], $0x2C00, $0x38;
	[tilespmem:$0x1AC00] =	vst v63  }
0x7b: {  	_ =	swait.ge [sflag:s20], $0x2C00  }
0x7c: {  	[sflag:s20] =	ssyncset.done $0x0  }
0x7d: {  	[sflag:s20] =	ssyncadd.s32 $0xFFFFD400  }
0x7e: {  	[tilespmem:s21], [sflag:$0x2] =	stream.linear.gather [hbm4b:s10+s4], $0x4000, $0x38;
	[tilespmem:$0x1AC00] =	vst v63  }
0x7f: {  	_ =	swait.ge [sflag:s20], $0x4000  }
0x80: {  	[sflag:s20] =	ssyncset.done $0x0  }
0x81: {  	[sflag:s20] =	ssyncadd.s32 $0xFFFFC000  }
0x82: {  	[tilespmem:s22], [sflag:$0x2] =	stream.linear.gather [hbm4b:s10+s4], $0x4000, $0x38;
	[tilespmem:$0x1AC00] =	vst v63  }
0x83: {  	_ =	swait.ge [sflag:s20], $0x4000  }
0x84: {  	[sflag:s20] =	ssyncset.done $0x0  }
0x85: {  	[sflag:s20] =	ssyncadd.s32 $0xFFFFC000  }
0x86: {  	[tilespmem:s21], [sflag:$0x1] =	stream.indirect.gather.add.f32 [hbm:s5], $0x80, s14, s23, $0xb8;
	[tilespmem:$0x1AC00] =	vst v63  }
0x87: {  	s28 =	rddreg [dreg:$0x6]  }
0x88: {  	[tilespmem:s21], [sflag:$0x1] =	stream.indirect.gather.add.f32 [hbm:s5], $0x80, s28, s23, $0xb8;
	[tilespmem:$0x1AC00] =	vst v63  }
0x89: {  	s29 =	rddreg [dreg:$0x7]  }
0x8a: {  	[tilespmem:s21], [sflag:$0x1] =	stream.indirect.gather.add.f32 [hbm:s5], $0x80, s29, s23, $0xb8;
	[tilespmem:$0x1AC00] =	vst v63  }
0x8b: {  	s30 =	rddreg [dreg:$0x8]  }
0x8c: {  	[tilespmem:s21], [sflag:$0x1] =	stream.indirect.gather.add.f32 [hbm:s5], $0x80, s30, s23, $0xb8;
	[tilespmem:$0x1AC00] =	vst v63  }
0x8d: {  	s31 =	rddreg [dreg:$0x9]  }
0x8e: {  	[tilespmem:s21], [sflag:$0x1] =	stream.indirect.gather.add.f32 [hbm:s5], $0x80, s31, s23, $0xb8;
	[tilespmem:$0x1AC00] =	vst v63  }
0x8f: {  	s1 =	rddreg [dreg:$0xa]  }
0x90: {  	[tilespmem:s21], [sflag:$0x1] =	stream.indirect.gather.add.f32 [hbm:s5], $0x80, s1, s23, $0xb8;
	[tilespmem:$0x1AC00] =	vst v63  }
0x91: {  	s9 =	rddreg [dreg:$0xb]  }
0x92: {  	[tilespmem:s21], [sflag:$0x1] =	stream.indirect.gather.add.f32 [hbm:s5], $0x80, s9, s23, $0xb8;
	[tilespmem:$0x1AC00] =	vst v63  }
0x93: {  	s11 =	rddreg [dreg:$0xc]  }
0x94: {  	[tilespmem:s21], [sflag:$0x1] =	stream.indirect.gather.add.f32 [hbm:s5], $0x80, s11, s23, $0xb8;
	[tilespmem:$0x1AC00] =	vst v63  }
0x95: {  	s12 =	rddreg [dreg:$0xd]  }
0x96: {  	[tilespmem:s21], [sflag:$0x1] =	stream.indirect.gather.add.f32 [hbm:s5], $0x80, s12, s23, $0xb8;
	[tilespmem:$0x1AC00] =	vst v63  }
0x97: {  	s15 =	rddreg [dreg:$0xe]  }
0x98: {  	[tilespmem:s21], [sflag:$0x1] =	stream.indirect.gather.add.f32 [hbm:s5], $0x80, s15, s23, $0xb8;
	[tilespmem:$0x1AC00] =	vst v63  }
0x99: {  	s26 =	rddreg [dreg:$0xf]  }
0x9a: {  	[tilespmem:s21], [sflag:$0x1] =	stream.indirect.gather.add.f32 [hbm:s5], $0x80, s26, s23, $0xb8;
	[tilespmem:$0x1AC00] =	vst v63  }
0x9b: {  	s28 =	rddreg [dreg:$0x10]  }
0x9c: {  	[tilespmem:s21], [sflag:$0x1] =	stream.indirect.gather.add.f32 [hbm:s5], $0x80, s28, s23, $0xb8;
	[tilespmem:$0x1AC00] =	vst v63  }
0x9d: {  	s29 =	rddreg [dreg:$0x11]  }
0x9e: {  	[tilespmem:s21], [sflag:$0x1] =	stream.indirect.gather.add.f32 [hbm:s5], $0x80, s29, s23, $0xb8;
	[tilespmem:$0x1AC00] =	vst v63  }
0x9f: {  	s30 =	rddreg [dreg:$0x12]  }
0xa0: {  	[tilespmem:s21], [sflag:$0x1] =	stream.indirect.gather.add.f32 [hbm:s5], $0x80, s30, s23, $0xb8;
	[tilespmem:$0x1AC00] =	vst v63  }
0xa1: {  	s31 =	rddreg [dreg:$0x13]  }
0xa2: {  	[tilespmem:s22], [sflag:$0x1] =	stream.indirect.gather.add.f32 [hbm:s5], $0x80, s31, s23, $0xb8;
	[tilespmem:$0x1AC00] =	vst v63  }
0xa3: {  	s1 =	rddreg [dreg:$0x14]  }
0xa4: {  	[tilespmem:s22], [sflag:$0x1] =	stream.indirect.gather.add.f32 [hbm:s5], $0x80, s1, s23, $0xb8;
	[tilespmem:$0x1AC00] =	vst v63  }
0xa5: {  	s9 =	rddreg [dreg:$0x15]  }
0xa6: {  	[tilespmem:s22], [sflag:$0x1] =	stream.indirect.gather.add.f32 [hbm:s5], $0x80, s9, s23, $0xb8;
	[tilespmem:$0x1AC00] =	vst v63  }
0xa7: {  	s11 =	rddreg [dreg:$0x16]  }
0xa8: {  	[tilespmem:s22], [sflag:$0x1] =	stream.indirect.gather.add.f32 [hbm:s5], $0x80, s11, s23, $0xb8;
	[tilespmem:$0x1AC00] =	vst v63  }
0xa9: {  	s12 =	rddreg [dreg:$0x17]  }
0xaa: {  	[tilespmem:s22], [sflag:$0x1] =	stream.indirect.gather.add.f32 [hbm:s5], $0x80, s12, s23, $0xb8;
	[tilespmem:$0x1AC00] =	vst v63  }
0xab: {  	s15 =	rddreg [dreg:$0x18]  }
0xac: {  	[tilespmem:s22], [sflag:$0x1] =	stream.indirect.gather.add.f32 [hbm:s5], $0x80, s15, s23, $0xb8;
	[tilespmem:$0x1AC00] =	vst v63  }
0xad: {  	s26 =	rddreg [dreg:$0x19]  }
0xae: {  	[tilespmem:s22], [sflag:$0x1] =	stream.indirect.gather.add.f32 [hbm:s5], $0x80, s26, s23, $0xb8;
	[tilespmem:$0x1AC00] =	vst v63  }
0xaf: {  	s28 =	rddreg [dreg:$0x1a]  }
0xb0: {  	[tilespmem:s22], [sflag:$0x1] =	stream.indirect.gather.add.f32 [hbm:s5], $0x80, s28, s23, $0xb8;
	[tilespmem:$0x1AC00] =	vst v63  }
0xb1: {  	s29 =	rddreg [dreg:$0x1b]  }
0xb2: {  	[tilespmem:s22], [sflag:$0x1] =	stream.indirect.gather.add.f32 [hbm:s5], $0x80, s29, s23, $0xb8;
	[tilespmem:$0x1AC00] =	vst v63  }
0xb3: {  	_ = 	snop  }
0xb4: {  	[tilespmem:s22], [sflag:$0x1] =	stream.indirect.gather.add.f32 [hbm:s5], $0x80, s16, s23, $0xb8;
	[tilespmem:$0x1AC00] =	vst v63  }
0xb5: {  	_ = 	snop  }
0xb6: {  	[tilespmem:s22], [sflag:$0x1] =	stream.indirect.gather.add.f32 [hbm:s5], $0x80, s17, s23, $0xb8;
	[tilespmem:$0x1AC00] =	vst v63  }
0xb7: {  	_ = 	snop  }
0xb8: {  	[tilespmem:s22], [sflag:$0x1] =	stream.indirect.gather.add.f32 [hbm:s5], $0x80, s18, s23, $0xb8;
	[tilespmem:$0x1AC00] =	vst v63  }
0xb9: {  	_ = 	snop  }
0xba: {  	[tilespmem:s22], [sflag:$0x1] =	stream.indirect.gather.add.f32 [hbm:s5], $0x80, s19, s23, $0xb8;
	[tilespmem:$0x1AC00] =	vst v63  }
0xbb: {  	_ =	swait.ge [sflag:s24], $0x4000  }
0xbc: {  	[sflag:s24] =	ssyncset.done $0x0  }
0xbd: {  	[sflag:s24] =	ssyncadd.s32 $0xFFFFC000  }
0xbe: {  	_ =	swait.ge [sflag:s24], $0x4000  }
0xbf: {  	[sflag:s24] =	ssyncset.done $0x0  }
0xc0: {  	[sflag:s24] =	ssyncadd.s32 $0xFFFFC000  }
0xc1: {  	_ =	swait.ge [sflag:s24], $0x4000  }
0xc2: {  	[sflag:s24] =	ssyncset.done $0x0  }
0xc3: {  	[sflag:s24] =	ssyncadd.s32 $0xFFFFC000  }
0xc4: {  	_ =	swait.ge [sflag:s24], $0x4000  }
0xc5: {  	[sflag:s24] =	ssyncset.done $0x0  }
0xc6: {  	[sflag:s24] =	ssyncadd.s32 $0xFFFFC000  }
0xc7: {  	_ =	swait.ge [sflag:s24], $0x4000  }
0xc8: {  	[sflag:s24] =	ssyncset.done $0x0  }
0xc9: {  	[sflag:s24] =	ssyncadd.s32 $0xFFFFC000  }
0xca: {  	_ =	swait.ge [sflag:s24], $0x4000  }
0xcb: {  	[sflag:s24] =	ssyncset.done $0x0  }
0xcc: {  	[sflag:s24] =	ssyncadd.s32 $0xFFFFC000  }
0xcd: {  	_ =	swait.ge [sflag:s24], $0x4000  }
0xce: {  	[sflag:s24] =	ssyncset.done $0x0  }
0xcf: {  	[sflag:s24] =	ssyncadd.s32 $0xFFFFC000  }
0xd0: {  	_ =	swait.ge [sflag:s24], $0x4000  }
0xd1: {  	[sflag:s24] =	ssyncset.done $0x0  }
0xd2: {  	[sflag:s24] =	ssyncadd.s32 $0xFFFFC000  }
0xd3: {  	_ =	swait.ge [sflag:s24], $0x4000  }
0xd4: {  	[sflag:s24] =	ssyncset.done $0x0  }
0xd5: {  	[sflag:s24] =	ssyncadd.s32 $0xFFFFC000  }
0xd6: {  	_ =	swait.ge [sflag:s24], $0x4000  }
0xd7: {  	[sflag:s24] =	ssyncset.done $0x0  }
0xd8: {  	[sflag:s24] =	ssyncadd.s32 $0xFFFFC000  }
0xd9: {  	_ =	swait.ge [sflag:s24], $0x4000  }
0xda: {  	[sflag:s24] =	ssyncset.done $0x0  }
0xdb: {  	[sflag:s24] =	ssyncadd.s32 $0xFFFFC000  }
0xdc: {  	_ =	swait.ge [sflag:s24], $0x4000  }
0xdd: {  	[sflag:s24] =	ssyncset.done $0x0  }
0xde: {  	[sflag:s24] =	ssyncadd.s32 $0xFFFFC000  }
0xdf: {  	_ =	swait.ge [sflag:s24], $0x4000  }
0xe0: {  	[sflag:s24] =	ssyncset.done $0x0  }
0xe1: {  	[sflag:s24] =	ssyncadd.s32 $0xFFFFC000  }
0xe2: {  	_ =	swait.ge [sflag:s24], $0x4000  }
0xe3: {  	[sflag:s24] =	ssyncset.done $0x0  }
0xe4: {  	[sflag:s24] =	ssyncadd.s32 $0xFFFFC000  }
0xe5: {  	_ =	swait.ge [sflag:s24], $0x4000  }
0xe6: {  	[sflag:s24] =	ssyncset.done $0x0  }
0xe7: {  	[sflag:s24] =	ssyncadd.s32 $0xFFFFC000  }
0xe8: {  	_ =	swait.ge [sflag:s24], $0x4000  }
0xe9: {  	[sflag:s24] =	ssyncset.done $0x0  }
0xea: {  	[sflag:s24] =	ssyncadd.s32 $0xFFFFC000  }
0xeb: {  	_ =	swait.ge [sflag:s24], $0x4000  }
0xec: {  	[sflag:s24] =	ssyncset.done $0x0  }
0xed: {  	[sflag:s24] =	ssyncadd.s32 $0xFFFFC000  }
0xee: {  	_ =	swait.ge [sflag:s24], $0x4000  }
0xef: {  	[sflag:s24] =	ssyncset.done $0x0  }
0xf0: {  	[sflag:s24] =	ssyncadd.s32 $0xFFFFC000  }
0xf1: {  	_ =	swait.ge [sflag:s24], $0x4000  }
0xf2: {  	[sflag:s24] =	ssyncset.done $0x0  }
0xf3: {  	[sflag:s24] =	ssyncadd.s32 $0xFFFFC000  }
0xf4: {  	_ =	swait.ge [sflag:s24], $0x4000  }
0xf5: {  	[sflag:s24] =	ssyncset.done $0x0  }
0xf6: {  	[sflag:s24] =	ssyncadd.s32 $0xFFFFC000  }
0xf7: {  	_ =	swait.ge [sflag:s24], $0x4000  }
0xf8: {  	[sflag:s24] =	ssyncset.done $0x0  }
0xf9: {  	[sflag:s24] =	ssyncadd.s32 $0xFFFFC000  }
0xfa: {  	_ =	swait.ge [sflag:s24], $0x4000  }
0xfb: {  	[sflag:s24] =	ssyncset.done $0x0  }
0xfc: {  	[sflag:s24] =	ssyncadd.s32 $0xFFFFC000  }
0xfd: {  	_ =	swait.ge [sflag:s24], $0x4000  }
0xfe: {  	[sflag:s24] =	ssyncset.done $0x0  }
0xff: {  	[sflag:s24] =	ssyncadd.s32 $0xFFFFC000  }
0x100: {  	_ =	swait.ge [sflag:s24], $0x4000  }
0x101: {  	[sflag:s24] =	ssyncset.done $0x0  }
0x102: {  	[sflag:s24] =	ssyncadd.s32 $0xFFFFC000  }
0x103: {  	_ =	swait.ge [sflag:s24], $0x4000  }
0x104: {  	[sflag:s24] =	ssyncset.done $0x0  }
0x105: {  	[sflag:s24] =	ssyncadd.s32 $0xFFFFC000  }
0x106: {  	_ =	swait.ge [sflag:s24], $0x4000  }
0x107: {  	[sflag:s24] =	ssyncset.done $0x0  }
0x108: {  	[sflag:s24] =	ssyncadd.s32 $0xFFFFC000  }
0x109: {  	_ =	swait.ge [sflag:s24], $0x4000  }
0x10a: {  	[sflag:s24] =	ssyncset.done $0x0  }
0x10b: {  	s30 =	rddreg [dreg:$0x4];
	[sflag:s24] =	ssyncadd.s32 $0xFFFFC000  }
0x10c: {  	[hbm4b:s30+s4] =	stream.linear.scatter [tilespmem:s21], [sflag:$0x2], $0x4000, $0x38;
	[tilespmem:$0x1AC00] =	vst v63  }
0x10d: {  	_ =	swait.ge [sflag:s20], $0x4000  }
0x10e: {  	[sflag:s20] =	ssyncset.done $0x0  }
.Ltmp7:
0x10f: {  	s31 =	rddreg [dreg:$0x5];
	[sflag:s20] =	ssyncadd.s32 $0xFFFFC000;
	(pc) =	sbr.rel .LBB2_11-.Ltmp7, $4  }
0x110: {  	[hbm4b:s31+s4] =	stream.linear.scatter [tilespmem:s22], [sflag:$0x2], $0x4000, $0x38;
	[tilespmem:$0x1AC00] =	vst v63  }
0x111: {  	_ =	swait.ge [sflag:s20], $0x4000  }
0x112: {  	[sflag:s20] =	ssyncset.done $0x0  }
0x113: {  	[sflag:s20] =	ssyncadd.s32 $0xFFFFC000  }
.LBB2_12:
0x114: {  	_ =	sfence.sel $0x180000  }
0x115: {  	[bflag:$0x0] =	sbarrier.arrive $0xFFFF  }
0x116: {  	_ =	strace $0x9000004A  }
0x117: {  	s0 =	stileid.u32;
	[bflag:$0x2] =	sbarrier.arrive $0xFFFF  }
0x118: {  	p0 =	sne.s32 s0, $0x0;
	s0 =	rddreg [dreg:$0x2]  }
0x119: {  	s0 =	sadd.s32 @!p0 $0x100000, s0  }
0x11a: {  	[sflag:s0] =	ssyncadd.tile.s32 @!p0 $0x1;
	_ =	shalt  }
.Lfunc_end2:
_tile_overlayer_lowered:
.L_overlay_start_2:
0x11b: {  	(tag) =	ssettag $0x2  }
0x11c: {  	s0 =	rddreg [dreg:$0x0];
	s2 =	stileid.u32  }
0x11d: {  	s1 =	rddreg [dreg:$0x1];
	p0 =	sne.s32 s2, $0x0  }
0x11e: {  	s3 =	rddreg [dreg:$0x2];
	[bflag:$0x3] =	sbarrier.arrive $0xFFFF;
	s2 =	simm.s32 @!p0 $0x1C02  }
0x11f: {  	[timem:s3], [sflag:s2] =	dma.local @!p0 [hbm:s0], s1  }
0x120: {  	s0 =	simm.s32 @!p0 $0x2  }
0x121: {  	_ =	swait.ge @!p0 [sflag:s0], s1  }
0x122: {  	s1 =	ssub.s32 @!p0 $0x0, s1;
	[sflag:s0] =	ssyncset.done @!p0 $0x0  }
0x123: {  	[sflag:s0] =	ssyncadd.s32 @!p0 s1  }
0x124: {  	[bflag:$0x3] =	sbarrier.arrive $0xFFFF  }
0x125: {  	_ =	shalt  }

</sc_bundles>
